<compile_context>
chip_gen: v7x
topology: tpu7x:2x2x1
jax: 0.10.2.dev20260603
libtpu: 0.0.44.dev20260713+nightly
codegen_flags: <defaults>
</compile_context>

<pallas_src>
import functools

import jax
import jax.numpy as jnp
from jax import lax
from jax.experimental import pallas as pl
from jax.experimental.pallas import tpu as pltpu
from jax.experimental.pallas import tpu_sc as plsc

NC = 2
NS = 16

EMBED_DIM = 128
CHUNK = 100
NBUF = 8
K_INIT = 6
K_GATH = 4


def _embed_kernel(n_chunks_per_w, x_hbm, tok_hbm, pos_hbm, out_hbm,
                  idx_v, pos_sh, buf, gsem, ssem, isem, xsem):
    wid = lax.axis_index("s") * NC + lax.axis_index("c")
    row0 = wid * n_chunks_per_w

    idx_cp = pltpu.async_copy(x_hbm.at[pl.ds(row0, n_chunks_per_w)],
                              idx_v, xsem)

    @pl.when(lax.axis_index("s") == 0)
    def _():
        pltpu.sync_copy(pos_hbm, pos_sh)

    plsc.subcore_barrier()
    idx_cp.wait()

    n_w = NC * NS

    def out_base(c):
        return (c * n_w + wid) * CHUNK

    def pos_off(c):
        return lax.rem(wid, 2) * CHUNK

    def fire_init(c, b):
        pltpu.async_copy(pos_sh.at[pl.ds(pos_off(c), CHUNK)],
                         buf.at[b], isem[b])

    def wait_init(c, b):
        pltpu.make_async_copy(pos_sh.at[pl.ds(pos_off(c), CHUNK)],
                              buf.at[b], isem[b]).wait()

    def fire_gather(c, b):
        pltpu.async_copy(tok_hbm.at[idx_v.at[c]], buf.at[b], gsem[b],
                         add=True)

    def wait_gather(c, b):
        pltpu.make_async_copy(tok_hbm.at[idx_v.at[c]],
                              buf.at[b], gsem[b]).wait()

    def fire_store(c, b):
        pltpu.async_copy(buf.at[b],
                         out_hbm.at[pl.ds(out_base(c), CHUNK)],
                         ssem[b])

    def wait_store(c, b):
        pltpu.make_async_copy(buf.at[b],
                              out_hbm.at[pl.ds(out_base(c), CHUNK)],
                              ssem[b]).wait()

    for c in range(K_INIT):
        fire_init(c, c % NBUF)
    for c in range(K_GATH):
        wait_init(c, c % NBUF)
        fire_gather(c, c % NBUF)

    def step(g, carry):
        for b0 in range(NBUF):
            c = g * NBUF + b0
            wait_gather(c, b0)
            fire_store(c, b0)

            ci = c + K_INIT
            bi = (b0 + K_INIT) % NBUF

            @pl.when(ci < n_chunks_per_w)
            def _():
                @pl.when(ci >= NBUF)
                def _():
                    wait_store(ci - NBUF, bi)
                fire_init(ci, bi)

            cg = c + K_GATH
            bg = (b0 + K_GATH) % NBUF

            @pl.when(cg < n_chunks_per_w)
            def _():
                wait_init(cg, bg)
                fire_gather(cg, bg)
        return carry

    lax.fori_loop(0, n_chunks_per_w // NBUF, step, 0)

    for b in range(NBUF):
        c = n_chunks_per_w - NBUF + b
        wait_store(c, b)


def kernel(x, token_table, pos_table):
    B, S = x.shape
    D = token_table.shape[1]
    n_lookups = B * S
    n_w = NC * NS
    n_chunks = n_lookups // CHUNK
    n_chunks_per_w = n_chunks // n_w

    x_rows = (x.reshape(n_chunks // n_w, n_w, CHUNK)
              .transpose(1, 0, 2).reshape(n_chunks, CHUNK).astype(jnp.int32))

    mesh = plsc.VectorSubcoreMesh(
        core_axis_name="c", subcore_axis_name="s",
        num_cores=NC, num_subcores=NS)

    out_flat = pl.kernel(
        functools.partial(_embed_kernel, n_chunks_per_w),
        out_type=jax.ShapeDtypeStruct((n_lookups, D), jnp.float32),
        mesh=mesh,
        scratch_types=[
            pltpu.VMEM((n_chunks_per_w, CHUNK), jnp.int32),
            pltpu.VMEM_SHARED((S, D), jnp.float32),
            pltpu.VMEM((NBUF, CHUNK, D), jnp.float32),
            [pltpu.SemaphoreType.DMA] * NBUF,
            [pltpu.SemaphoreType.DMA] * NBUF,
            [pltpu.SemaphoreType.DMA] * NBUF,
            pltpu.SemaphoreType.DMA,
        ],
        compiler_params=pltpu.CompilerParams(use_tc_tiling_on_sc=False),
    )(x_rows, token_table, pos_table)

    return out_flat.reshape(B, S, D)

# --- scband reference (transcript-rebuilt; emitter-appended) ---
"""Pipeline reference for scband-token-and-position-embedding-51221779972135 (READ-ONLY COPY).

The authoritative reference and input builder live on the scoring server;
editing this copy changes nothing except your own understanding.
"""

import jax, jax.numpy as jnp
import numpy as np

VOCAB = 100000
MAX_LEN = 200
EMBED_DIM = 128
BATCH = 1024
SEQ_LEN = 200


def setup_inputs(seed: int = 0) -> dict:
    key = jax.random.key(seed)
    k1, k2, k3 = jax.random.split(key, 3)
    x = jax.random.randint(k1, (BATCH, SEQ_LEN), 0, VOCAB, dtype=jnp.int64 if jax.config.read('jax_enable_x64') else jnp.int32)
    token_table = jax.random.normal(k2, (VOCAB, EMBED_DIM), dtype=jnp.float32) * 0.02
    pos_table = jax.random.normal(k3, (MAX_LEN, EMBED_DIM), dtype=jnp.float32) * 0.02
    return {"x": x, "token_table": token_table, "pos_table": pos_table}


def reference(x, token_table, pos_table):
    N, seq_len = x.shape
    positions = jnp.arange(0, seq_len)
    positions = jnp.broadcast_to(positions[None, :], (N, seq_len))
    token_embed = jnp.take(token_table, x, axis=0)           # [N, S, D]
    position_embed = jnp.take(pos_table, positions, axis=0)  # [N, S, D]
    return token_embed + position_embed

if __name__ == "__main__":
    import jax
    _d = setup_inputs()
    print(jax.jit(kernel)(*tuple(_d.values())))

</pallas_src>

<mosaic_0001>
#map = affine_map<(d0, d1) -> (0, 0)>
module attributes {stable_mosaic.version = 14 : i64} {
  func.func @_embed_kernel(%arg0: i32, %arg1: i32, %arg2: memref<2048x100xi32, #tpu.memory_space<hbm>>, %arg3: memref<100000x128xf32, #tpu.memory_space<hbm>>, %arg4: memref<200x128xf32, #tpu.memory_space<hbm>>, %arg5: memref<204800x128xf32, #tpu.memory_space<hbm>>, %arg6: memref<64x100xi32, #tpu.memory_space<vmem>>, %arg7: memref<200x128xf32, #tpu.memory_space<vmem_shared>>, %arg8: memref<8x100x128xf32, #tpu.memory_space<vmem>>, %arg9: memref<!tpu.dma_semaphore, #tpu.memory_space<semaphore_mem>>, %arg10: memref<!tpu.dma_semaphore, #tpu.memory_space<semaphore_mem>>, %arg11: memref<!tpu.dma_semaphore, #tpu.memory_space<semaphore_mem>>, %arg12: memref<!tpu.dma_semaphore, #tpu.memory_space<semaphore_mem>>, %arg13: memref<!tpu.dma_semaphore, #tpu.memory_space<semaphore_mem>>, %arg14: memref<!tpu.dma_semaphore, #tpu.memory_space<semaphore_mem>>, %arg15: memref<!tpu.dma_semaphore, #tpu.memory_space<semaphore_mem>>, %arg16: memref<!tpu.dma_semaphore, #tpu.memory_space<semaphore_mem>>, %arg17: memref<!tpu.dma_semaphore, #tpu.memory_space<semaphore_mem>>, %arg18: memref<!tpu.dma_semaphore, #tpu.memory_space<semaphore_mem>>, %arg19: memref<!tpu.dma_semaphore, #tpu.memory_space<semaphore_mem>>, %arg20: memref<!tpu.dma_semaphore, #tpu.memory_space<semaphore_mem>>, %arg21: memref<!tpu.dma_semaphore, #tpu.memory_space<semaphore_mem>>, %arg22: memref<!tpu.dma_semaphore, #tpu.memory_space<semaphore_mem>>, %arg23: memref<!tpu.dma_semaphore, #tpu.memory_space<semaphore_mem>>, %arg24: memref<!tpu.dma_semaphore, #tpu.memory_space<semaphore_mem>>, %arg25: memref<!tpu.dma_semaphore, #tpu.memory_space<semaphore_mem>>, %arg26: memref<!tpu.dma_semaphore, #tpu.memory_space<semaphore_mem>>, %arg27: memref<!tpu.dma_semaphore, #tpu.memory_space<semaphore_mem>>, %arg28: memref<!tpu.dma_semaphore, #tpu.memory_space<semaphore_mem>>, %arg29: memref<!tpu.dma_semaphore, #tpu.memory_space<semaphore_mem>>, %arg30: memref<!tpu.dma_semaphore, #tpu.memory_space<semaphore_mem>>, %arg31: memref<!tpu.dma_semaphore, #tpu.memory_space<semaphore_mem>>, %arg32: memref<!tpu.dma_semaphore, #tpu.memory_space<semaphore_mem>>, %arg33: memref<!tpu.dma_semaphore, #tpu.memory_space<semaphore_mem>>) attributes {dimension_semantics = [#tpu.dimension_semantics<core_parallel>, #tpu.dimension_semantics<subcore_parallel>], iteration_bounds = array<i64: 2, 16>, scalar_prefetch = 0 : i64, scratch_operands = 28 : i64, tpu.core_type = #tpu.core_type<sc_vector_subcore>, window_params = [{transform_indices = #map}, {transform_indices = #map}, {transform_indices = #map}, {transform_indices = #map}]} {
    %mul3A = arith.constant 2 : i32
    %mul3A_0 = arith.muli %arg1, %mul3A : i32
    %add3A = arith.addi %mul3A_0, %arg0 : i32
    %mul3A_1 = arith.constant 64 : i32
    %mul3A_2 = arith.muli %add3A, %mul3A_1 : i32
    %dma_start3A = arith.constant 0 : i32
    %dma_start3A_3 = tpu.memref_slice %arg2[%mul3A_2, %dma_start3A] : memref<2048x100xi32, #tpu.memory_space<hbm>> -> memref<64x100xi32, #tpu.memory_space<hbm>>
    %dma_start3A_4 = arith.constant 0 : i32
    %dma_start3A_5 = tpu.memref_slice %arg2[%mul3A_2, %dma_start3A_4] : memref<2048x100xi32, #tpu.memory_space<hbm>> -> memref<64x100xi32, #tpu.memory_space<hbm>>
    tpu.enqueue_dma source(%dma_start3A_5 : memref<64x100xi32, #tpu.memory_space<hbm>>) target(%arg6 : memref<64x100xi32, #tpu.memory_space<vmem>>) target_semaphore(%arg33 : memref<!tpu.dma_semaphore, #tpu.memory_space<semaphore_mem>>)
    %eq3A = arith.constant 0 : i32
    %eq3A_6 = arith.cmpi eq, %arg1, %eq3A : i32
    %convert_element_type3A = arith.extui %eq3A_6 : i1 to i32
    %cond3A = arith.constant 0 : i32
    %cond3A_7 = arith.cmpi ne, %convert_element_type3A, %cond3A : i32
    scf.if %cond3A_7 {
      "tpu.region"() ({
        %run_scoped3A = tpu.sem_alloc : memref<!tpu.dma_semaphore, #tpu.memory_space<semaphore_mem>>
        tpu.enqueue_dma source(%arg4 : memref<200x128xf32, #tpu.memory_space<hbm>>) target(%arg7 : memref<200x128xf32, #tpu.memory_space<vmem_shared>>) target_semaphore(%run_scoped3A : memref<!tpu.dma_semaphore, #tpu.memory_space<semaphore_mem>>)
        tpu.wait_dma2 semaphore(%run_scoped3A : memref<!tpu.dma_semaphore, #tpu.memory_space<semaphore_mem>>) src(%arg4 : memref<200x128xf32, #tpu.memory_space<hbm>>) dst(%arg7 : memref<200x128xf32, #tpu.memory_space<vmem_shared>>)
        tpu.yield
      }) : () -> ()
    } else {
    }
    %barrier3A = arith.constant 0 : index
    tpu.barrier barrier_id(%barrier3A)
    %dma_wait3A = arith.constant 0 : i32
    %dma_wait3A_8 = tpu.memref_slice %arg2[%mul3A_2, %dma_wait3A] : memref<2048x100xi32, #tpu.memory_space<hbm>> -> memref<64x100xi32, #tpu.memory_space<hbm>>
    %dma_wait3A_9 = arith.constant 0 : i32
    %dma_wait3A_10 = tpu.memref_slice %arg2[%mul3A_2, %dma_wait3A_9] : memref<2048x100xi32, #tpu.memory_space<hbm>> -> memref<64x100xi32, #tpu.memory_space<hbm>>
    tpu.wait_dma2 semaphore(%arg33 : memref<!tpu.dma_semaphore, #tpu.memory_space<semaphore_mem>>) src(%dma_wait3A_10 : memref<64x100xi32, #tpu.memory_space<hbm>>) dst(%arg6 : memref<64x100xi32, #tpu.memory_space<vmem>>)
    %rem3A = arith.constant 2 : i32
    %rem3A_11 = arith.remsi %add3A, %rem3A : i32
    %mul3A_12 = arith.constant 100 : i32
    %mul3A_13 = arith.muli %rem3A_11, %mul3A_12 : i32
    %dma_start3A_14 = arith.constant 0 : i32
    %dma_start3A_15 = arith.constant 0 : i32
    %dma_start3A_16 = arith.constant 0 : i32
    %dma_start3A_17 = tpu.memref_slice %arg8[%dma_start3A_14, %dma_start3A_15, %dma_start3A_16] : memref<8x100x128xf32, #tpu.memory_space<vmem>> -> memref<1x100x128xf32, #tpu.memory_space<vmem>>
    %dma_start3A_18 = tpu.memref_squeeze %dma_start3A_17 : memref<1x100x128xf32, #tpu.memory_space<vmem>> -> memref<100x128xf32, #tpu.memory_space<vmem>>
    %dma_start3A_19 = arith.constant 0 : i32
    %dma_start3A_20 = tpu.memref_slice %arg7[%mul3A_13, %dma_start3A_19] : memref<200x128xf32, #tpu.memory_space<vmem_shared>> -> memref<100x128xf32, #tpu.memory_space<vmem_shared>>
    %dma_start3A_21 = arith.constant 0 : i32
    %dma_start3A_22 = arith.constant 0 : i32
    %dma_start3A_23 = tpu.memref_slice %arg8[%dma_start3A_14, %dma_start3A_21, %dma_start3A_22] : memref<8x100x128xf32, #tpu.memory_space<vmem>> -> memref<1x100x128xf32, #tpu.memory_space<vmem>>
    %dma_start3A_24 = tpu.memref_squeeze %dma_start3A_23 : memref<1x100x128xf32, #tpu.memory_space<vmem>> -> memref<100x128xf32, #tpu.memory_space<vmem>>
    %dma_start3A_25 = arith.constant 0 : i32
    %dma_start3A_26 = tpu.memref_slice %arg7[%mul3A_13, %dma_start3A_25] : memref<200x128xf32, #tpu.memory_space<vmem_shared>> -> memref<100x128xf32, #tpu.memory_space<vmem_shared>>
    tpu.enqueue_dma source(%dma_start3A_26 : memref<100x128xf32, #tpu.memory_space<vmem_shared>>) target(%dma_start3A_24 : memref<100x128xf32, #tpu.memory_space<vmem>>) target_semaphore(%arg25 : memref<!tpu.dma_semaphore, #tpu.memory_space<semaphore_mem>>)
    %rem3A_27 = arith.constant 2 : i32
    %rem3A_28 = arith.remsi %add3A, %rem3A_27 : i32
    %mul3A_29 = arith.constant 100 : i32
    %mul3A_30 = arith.muli %rem3A_28, %mul3A_29 : i32
    %dma_start3A_31 = arith.constant 1 : i32
    %dma_start3A_32 = arith.constant 0 : i32
    %dma_start3A_33 = arith.constant 0 : i32
    %dma_start3A_34 = tpu.memref_slice %arg8[%dma_start3A_31, %dma_start3A_32, %dma_start3A_33] : memref<8x100x128xf32, #tpu.memory_space<vmem>> -> memref<1x100x128xf32, #tpu.memory_space<vmem>>
    %dma_start3A_35 = tpu.memref_squeeze %dma_start3A_34 : memref<1x100x128xf32, #tpu.memory_space<vmem>> -> memref<100x128xf32, #tpu.memory_space<vmem>>
    %dma_start3A_36 = arith.constant 0 : i32
    %dma_start3A_37 = tpu.memref_slice %arg7[%mul3A_30, %dma_start3A_36] : memref<200x128xf32, #tpu.memory_space<vmem_shared>> -> memref<100x128xf32, #tpu.memory_space<vmem_shared>>
    %dma_start3A_38 = arith.constant 0 : i32
    %dma_start3A_39 = arith.constant 0 : i32
    %dma_start3A_40 = tpu.memref_slice %arg8[%dma_start3A_31, %dma_start3A_38, %dma_start3A_39] : memref<8x100x128xf32, #tpu.memory_space<vmem>> -> memref<1x100x128xf32, #tpu.memory_space<vmem>>
    %dma_start3A_41 = tpu.memref_squeeze %dma_start3A_40 : memref<1x100x128xf32, #tpu.memory_space<vmem>> -> memref<100x128xf32, #tpu.memory_space<vmem>>
    %dma_start3A_42 = arith.constant 0 : i32
    %dma_start3A_43 = tpu.memref_slice %arg7[%mul3A_30, %dma_start3A_42] : memref<200x128xf32, #tpu.memory_space<vmem_shared>> -> memref<100x128xf32, #tpu.memory_space<vmem_shared>>
    tpu.enqueue_dma source(%dma_start3A_43 : memref<100x128xf32, #tpu.memory_space<vmem_shared>>) target(%dma_start3A_41 : memref<100x128xf32, #tpu.memory_space<vmem>>) target_semaphore(%arg26 : memref<!tpu.dma_semaphore, #tpu.memory_space<semaphore_mem>>)
    %rem3A_44 = arith.constant 2 : i32
    %rem3A_45 = arith.remsi %add3A, %rem3A_44 : i32
    %mul3A_46 = arith.constant 100 : i32
    %mul3A_47 = arith.muli %rem3A_45, %mul3A_46 : i32
    %dma_start3A_48 = arith.constant 2 : i32
    %dma_start3A_49 = arith.constant 0 : i32
    %dma_start3A_50 = arith.constant 0 : i32
    %dma_start3A_51 = tpu.memref_slice %arg8[%dma_start3A_48, %dma_start3A_49, %dma_start3A_50] : memref<8x100x128xf32, #tpu.memory_space<vmem>> -> memref<1x100x128xf32, #tpu.memory_space<vmem>>
    %dma_start3A_52 = tpu.memref_squeeze %dma_start3A_51 : memref<1x100x128xf32, #tpu.memory_space<vmem>> -> memref<100x128xf32, #tpu.memory_space<vmem>>
    %dma_start3A_53 = arith.constant 0 : i32
    %dma_start3A_54 = tpu.memref_slice %arg7[%mul3A_47, %dma_start3A_53] : memref<200x128xf32, #tpu.memory_space<vmem_shared>> -> memref<100x128xf32, #tpu.memory_space<vmem_shared>>
    %dma_start3A_55 = arith.constant 0 : i32
    %dma_start3A_56 = arith.constant 0 : i32
    %dma_start3A_57 = tpu.memref_slice %arg8[%dma_start3A_48, %dma_start3A_55, %dma_start3A_56] : memref<8x100x128xf32, #tpu.memory_space<vmem>> -> memref<1x100x128xf32, #tpu.memory_space<vmem>>
    %dma_start3A_58 = tpu.memref_squeeze %dma_start3A_57 : memref<1x100x128xf32, #tpu.memory_space<vmem>> -> memref<100x128xf32, #tpu.memory_space<vmem>>
    %dma_start3A_59 = arith.constant 0 : i32
    %dma_start3A_60 = tpu.memref_slice %arg7[%mul3A_47, %dma_start3A_59] : memref<200x128xf32, #tpu.memory_space<vmem_shared>> -> memref<100x128xf32, #tpu.memory_space<vmem_shared>>
    tpu.enqueue_dma source(%dma_start3A_60 : memref<100x128xf32, #tpu.memory_space<vmem_shared>>) target(%dma_start3A_58 : memref<100x128xf32, #tpu.memory_space<vmem>>) target_semaphore(%arg27 : memref<!tpu.dma_semaphore, #tpu.memory_space<semaphore_mem>>)
    %rem3A_61 = arith.constant 2 : i32
    %rem3A_62 = arith.remsi %add3A, %rem3A_61 : i32
    %mul3A_63 = arith.constant 100 : i32
    %mul3A_64 = arith.muli %rem3A_62, %mul3A_63 : i32
    %dma_start3A_65 = arith.constant 3 : i32
    %dma_start3A_66 = arith.constant 0 : i32
    %dma_start3A_67 = arith.constant 0 : i32
    %dma_start3A_68 = tpu.memref_slice %arg8[%dma_start3A_65, %dma_start3A_66, %dma_start3A_67] : memref<8x100x128xf32, #tpu.memory_space<vmem>> -> memref<1x100x128xf32, #tpu.memory_space<vmem>>
    %dma_start3A_69 = tpu.memref_squeeze %dma_start3A_68 : memref<1x100x128xf32, #tpu.memory_space<vmem>> -> memref<100x128xf32, #tpu.memory_space<vmem>>
    %dma_start3A_70 = arith.constant 0 : i32
    %dma_start3A_71 = tpu.memref_slice %arg7[%mul3A_64, %dma_start3A_70] : memref<200x128xf32, #tpu.memory_space<vmem_shared>> -> memref<100x128xf32, #tpu.memory_space<vmem_shared>>
    %dma_start3A_72 = arith.constant 0 : i32
    %dma_start3A_73 = arith.constant 0 : i32
    %dma_start3A_74 = tpu.memref_slice %arg8[%dma_start3A_65, %dma_start3A_72, %dma_start3A_73] : memref<8x100x128xf32, #tpu.memory_space<vmem>> -> memref<1x100x128xf32, #tpu.memory_space<vmem>>
    %dma_start3A_75 = tpu.memref_squeeze %dma_start3A_74 : memref<1x100x128xf32, #tpu.memory_space<vmem>> -> memref<100x128xf32, #tpu.memory_space<vmem>>
    %dma_start3A_76 = arith.constant 0 : i32
    %dma_start3A_77 = tpu.memref_slice %arg7[%mul3A_64, %dma_start3A_76] : memref<200x128xf32, #tpu.memory_space<vmem_shared>> -> memref<100x128xf32, #tpu.memory_space<vmem_shared>>
    tpu.enqueue_dma source(%dma_start3A_77 : memref<100x128xf32, #tpu.memory_space<vmem_shared>>) target(%dma_start3A_75 : memref<100x128xf32, #tpu.memory_space<vmem>>) target_semaphore(%arg28 : memref<!tpu.dma_semaphore, #tpu.memory_space<semaphore_mem>>)
    %rem3A_78 = arith.constant 2 : i32
    %rem3A_79 = arith.remsi %add3A, %rem3A_78 : i32
    %mul3A_80 = arith.constant 100 : i32
    %mul3A_81 = arith.muli %rem3A_79, %mul3A_80 : i32
    %dma_start3A_82 = arith.constant 4 : i32
    %dma_start3A_83 = arith.constant 0 : i32
    %dma_start3A_84 = arith.constant 0 : i32
    %dma_start3A_85 = tpu.memref_slice %arg8[%dma_start3A_82, %dma_start3A_83, %dma_start3A_84] : memref<8x100x128xf32, #tpu.memory_space<vmem>> -> memref<1x100x128xf32, #tpu.memory_space<vmem>>
    %dma_start3A_86 = tpu.memref_squeeze %dma_start3A_85 : memref<1x100x128xf32, #tpu.memory_space<vmem>> -> memref<100x128xf32, #tpu.memory_space<vmem>>
    %dma_start3A_87 = arith.constant 0 : i32
    %dma_start3A_88 = tpu.memref_slice %arg7[%mul3A_81, %dma_start3A_87] : memref<200x128xf32, #tpu.memory_space<vmem_shared>> -> memref<100x128xf32, #tpu.memory_space<vmem_shared>>
    %dma_start3A_89 = arith.constant 0 : i32
    %dma_start3A_90 = arith.constant 0 : i32
    %dma_start3A_91 = tpu.memref_slice %arg8[%dma_start3A_82, %dma_start3A_89, %dma_start3A_90] : memref<8x100x128xf32, #tpu.memory_space<vmem>> -> memref<1x100x128xf32, #tpu.memory_space<vmem>>
    %dma_start3A_92 = tpu.memref_squeeze %dma_start3A_91 : memref<1x100x128xf32, #tpu.memory_space<vmem>> -> memref<100x128xf32, #tpu.memory_space<vmem>>
    %dma_start3A_93 = arith.constant 0 : i32
    %dma_start3A_94 = tpu.memref_slice %arg7[%mul3A_81, %dma_start3A_93] : memref<200x128xf32, #tpu.memory_space<vmem_shared>> -> memref<100x128xf32, #tpu.memory_space<vmem_shared>>
    tpu.enqueue_dma source(%dma_start3A_94 : memref<100x128xf32, #tpu.memory_space<vmem_shared>>) target(%dma_start3A_92 : memref<100x128xf32, #tpu.memory_space<vmem>>) target_semaphore(%arg29 : memref<!tpu.dma_semaphore, #tpu.memory_space<semaphore_mem>>)
    %rem3A_95 = arith.constant 2 : i32
    %rem3A_96 = arith.remsi %add3A, %rem3A_95 : i32
    %mul3A_97 = arith.constant 100 : i32
    %mul3A_98 = arith.muli %rem3A_96, %mul3A_97 : i32
    %dma_start3A_99 = arith.constant 5 : i32
    %dma_start3A_100 = arith.constant 0 : i32
    %dma_start3A_101 = arith.constant 0 : i32
    %dma_start3A_102 = tpu.memref_slice %arg8[%dma_start3A_99, %dma_start3A_100, %dma_start3A_101] : memref<8x100x128xf32, #tpu.memory_space<vmem>> -> memref<1x100x128xf32, #tpu.memory_space<vmem>>
    %dma_start3A_103 = tpu.memref_squeeze %dma_start3A_102 : memref<1x100x128xf32, #tpu.memory_space<vmem>> -> memref<100x128xf32, #tpu.memory_space<vmem>>
    %dma_start3A_104 = arith.constant 0 : i32
    %dma_start3A_105 = tpu.memref_slice %arg7[%mul3A_98, %dma_start3A_104] : memref<200x128xf32, #tpu.memory_space<vmem_shared>> -> memref<100x128xf32, #tpu.memory_space<vmem_shared>>
    %dma_start3A_106 = arith.constant 0 : i32
    %dma_start3A_107 = arith.constant 0 : i32
    %dma_start3A_108 = tpu.memref_slice %arg8[%dma_start3A_99, %dma_start3A_106, %dma_start3A_107] : memref<8x100x128xf32, #tpu.memory_space<vmem>> -> memref<1x100x128xf32, #tpu.memory_space<vmem>>
    %dma_start3A_109 = tpu.memref_squeeze %dma_start3A_108 : memref<1x100x128xf32, #tpu.memory_space<vmem>> -> memref<100x128xf32, #tpu.memory_space<vmem>>
    %dma_start3A_110 = arith.constant 0 : i32
    %dma_start3A_111 = tpu.memref_slice %arg7[%mul3A_98, %dma_start3A_110] : memref<200x128xf32, #tpu.memory_space<vmem_shared>> -> memref<100x128xf32, #tpu.memory_space<vmem_shared>>
    tpu.enqueue_dma source(%dma_start3A_111 : memref<100x128xf32, #tpu.memory_space<vmem_shared>>) target(%dma_start3A_109 : memref<100x128xf32, #tpu.memory_space<vmem>>) target_semaphore(%arg30 : memref<!tpu.dma_semaphore, #tpu.memory_space<semaphore_mem>>)
    %rem3A_112 = arith.constant 2 : i32
    %rem3A_113 = arith.remsi %add3A, %rem3A_112 : i32
    %mul3A_114 = arith.constant 100 : i32
    %mul3A_115 = arith.muli %rem3A_113, %mul3A_114 : i32
    %dma_wait3A_116 = arith.constant 0 : i32
    %dma_wait3A_117 = arith.constant 0 : i32
    %dma_wait3A_118 = arith.constant 0 : i32
    %dma_wait3A_119 = tpu.memref_slice %arg8[%dma_wait3A_116, %dma_wait3A_117, %dma_wait3A_118] : memref<8x100x128xf32, #tpu.memory_space<vmem>> -> memref<1x100x128xf32, #tpu.memory_space<vmem>>
    %dma_wait3A_120 = tpu.memref_squeeze %dma_wait3A_119 : memref<1x100x128xf32, #tpu.memory_space<vmem>> -> memref<100x128xf32, #tpu.memory_space<vmem>>
    %dma_wait3A_121 = arith.constant 0 : i32
    %dma_wait3A_122 = tpu.memref_slice %arg7[%mul3A_115, %dma_wait3A_121] : memref<200x128xf32, #tpu.memory_space<vmem_shared>> -> memref<100x128xf32, #tpu.memory_space<vmem_shared>>
    %dma_wait3A_123 = arith.constant 0 : i32
    %dma_wait3A_124 = arith.constant 0 : i32
    %dma_wait3A_125 = tpu.memref_slice %arg8[%dma_wait3A_116, %dma_wait3A_123, %dma_wait3A_124] : memref<8x100x128xf32, #tpu.memory_space<vmem>> -> memref<1x100x128xf32, #tpu.memory_space<vmem>>
    %dma_wait3A_126 = tpu.memref_squeeze %dma_wait3A_125 : memref<1x100x128xf32, #tpu.memory_space<vmem>> -> memref<100x128xf32, #tpu.memory_space<vmem>>
    %dma_wait3A_127 = arith.constant 0 : i32
    %dma_wait3A_128 = tpu.memref_slice %arg7[%mul3A_115, %dma_wait3A_127] : memref<200x128xf32, #tpu.memory_space<vmem_shared>> -> memref<100x128xf32, #tpu.memory_space<vmem_shared>>
    tpu.wait_dma2 semaphore(%arg25 : memref<!tpu.dma_semaphore, #tpu.memory_space<semaphore_mem>>) src(%dma_wait3A_128 : memref<100x128xf32, #tpu.memory_space<vmem_shared>>) dst(%dma_wait3A_126 : memref<100x128xf32, #tpu.memory_space<vmem>>)
    %dma_start3A_129 = arith.constant 0 : i32
    %dma_start3A_130 = arith.constant 0 : i32
    %dma_start3A_131 = arith.constant 0 : i32
    %dma_start3A_132 = arith.constant 0 : i32
    %dma_start3A_133 = tpu.memref_slice %arg8[%dma_start3A_130, %dma_start3A_131, %dma_start3A_132] : memref<8x100x128xf32, #tpu.memory_space<vmem>> -> memref<1x100x128xf32, #tpu.memory_space<vmem>>
    %dma_start3A_134 = tpu.memref_squeeze %dma_start3A_133 : memref<1x100x128xf32, #tpu.memory_space<vmem>> -> memref<100x128xf32, #tpu.memory_space<vmem>>
    %dma_start3A_135 = arith.constant 0 : i32
    %dma_start3A_136 = tpu.memref_slice %arg6[%dma_start3A_129, %dma_start3A_135] : memref<64x100xi32, #tpu.memory_space<vmem>> -> memref<1x100xi32, #tpu.memory_space<vmem>>
    %dma_start3A_137 = tpu.memref_squeeze %dma_start3A_136 : memref<1x100xi32, #tpu.memory_space<vmem>> -> memref<100xi32, #tpu.memory_space<vmem>>
    %dma_start3A_138 = arith.constant 0 : i32
    %dma_start3A_139 = arith.constant 0 : i32
    %dma_start3A_140 = tpu.memref_slice %arg3[%dma_start3A_138, %dma_start3A_139] : memref<100000x128xf32, #tpu.memory_space<hbm>> -> memref<100000x128xf32, #tpu.memory_space<hbm>>
    tpu.enqueue_indirect_dma source(%dma_start3A_140 : memref<100000x128xf32, #tpu.memory_space<hbm>>) target(%dma_start3A_134 : memref<100x128xf32, #tpu.memory_space<vmem>>) offsets(%dma_start3A_137 : memref<100xi32, #tpu.memory_space<vmem>>) semaphore(%arg9 : memref<!tpu.dma_semaphore, #tpu.memory_space<semaphore_mem>>) {add = true}
    %rem3A_141 = arith.constant 2 : i32
    %rem3A_142 = arith.remsi %add3A, %rem3A_141 : i32
    %mul3A_143 = arith.constant 100 : i32
    %mul3A_144 = arith.muli %rem3A_142, %mul3A_143 : i32
    %dma_wait3A_145 = arith.constant 1 : i32
    %dma_wait3A_146 = arith.constant 0 : i32
    %dma_wait3A_147 = arith.constant 0 : i32
    %dma_wait3A_148 = tpu.memref_slice %arg8[%dma_wait3A_145, %dma_wait3A_146, %dma_wait3A_147] : memref<8x100x128xf32, #tpu.memory_space<vmem>> -> memref<1x100x128xf32, #tpu.memory_space<vmem>>
    %dma_wait3A_149 = tpu.memref_squeeze %dma_wait3A_148 : memref<1x100x128xf32, #tpu.memory_space<vmem>> -> memref<100x128xf32, #tpu.memory_space<vmem>>
    %dma_wait3A_150 = arith.constant 0 : i32
    %dma_wait3A_151 = tpu.memref_slice %arg7[%mul3A_144, %dma_wait3A_150] : memref<200x128xf32, #tpu.memory_space<vmem_shared>> -> memref<100x128xf32, #tpu.memory_space<vmem_shared>>
    %dma_wait3A_152 = arith.constant 0 : i32
    %dma_wait3A_153 = arith.constant 0 : i32
    %dma_wait3A_154 = tpu.memref_slice %arg8[%dma_wait3A_145, %dma_wait3A_152, %dma_wait3A_153] : memref<8x100x128xf32, #tpu.memory_space<vmem>> -> memref<1x100x128xf32, #tpu.memory_space<vmem>>
    %dma_wait3A_155 = tpu.memref_squeeze %dma_wait3A_154 : memref<1x100x128xf32, #tpu.memory_space<vmem>> -> memref<100x128xf32, #tpu.memory_space<vmem>>
    %dma_wait3A_156 = arith.constant 0 : i32
    %dma_wait3A_157 = tpu.memref_slice %arg7[%mul3A_144, %dma_wait3A_156] : memref<200x128xf32, #tpu.memory_space<vmem_shared>> -> memref<100x128xf32, #tpu.memory_space<vmem_shared>>
    tpu.wait_dma2 semaphore(%arg26 : memref<!tpu.dma_semaphore, #tpu.memory_space<semaphore_mem>>) src(%dma_wait3A_157 : memref<100x128xf32, #tpu.memory_space<vmem_shared>>) dst(%dma_wait3A_155 : memref<100x128xf32, #tpu.memory_space<vmem>>)
    %dma_start3A_158 = arith.constant 1 : i32
    %dma_start3A_159 = arith.constant 1 : i32
    %dma_start3A_160 = arith.constant 0 : i32
    %dma_start3A_161 = arith.constant 0 : i32
    %dma_start3A_162 = tpu.memref_slice %arg8[%dma_start3A_159, %dma_start3A_160, %dma_start3A_161] : memref<8x100x128xf32, #tpu.memory_space<vmem>> -> memref<1x100x128xf32, #tpu.memory_space<vmem>>
    %dma_start3A_163 = tpu.memref_squeeze %dma_start3A_162 : memref<1x100x128xf32, #tpu.memory_space<vmem>> -> memref<100x128xf32, #tpu.memory_space<vmem>>
    %dma_start3A_164 = arith.constant 0 : i32
    %dma_start3A_165 = tpu.memref_slice %arg6[%dma_start3A_158, %dma_start3A_164] : memref<64x100xi32, #tpu.memory_space<vmem>> -> memref<1x100xi32, #tpu.memory_space<vmem>>
    %dma_start3A_166 = tpu.memref_squeeze %dma_start3A_165 : memref<1x100xi32, #tpu.memory_space<vmem>> -> memref<100xi32, #tpu.memory_space<vmem>>
    %dma_start3A_167 = arith.constant 0 : i32
    %dma_start3A_168 = arith.constant 0 : i32
    %dma_start3A_169 = tpu.memref_slice %arg3[%dma_start3A_167, %dma_start3A_168] : memref<100000x128xf32, #tpu.memory_space<hbm>> -> memref<100000x128xf32, #tpu.memory_space<hbm>>
    tpu.enqueue_indirect_dma source(%dma_start3A_169 : memref<100000x128xf32, #tpu.memory_space<hbm>>) target(%dma_start3A_163 : memref<100x128xf32, #tpu.memory_space<vmem>>) offsets(%dma_start3A_166 : memref<100xi32, #tpu.memory_space<vmem>>) semaphore(%arg10 : memref<!tpu.dma_semaphore, #tpu.memory_space<semaphore_mem>>) {add = true}
    %rem3A_170 = arith.constant 2 : i32
    %rem3A_171 = arith.remsi %add3A, %rem3A_170 : i32
    %mul3A_172 = arith.constant 100 : i32
    %mul3A_173 = arith.muli %rem3A_171, %mul3A_172 : i32
    %dma_wait3A_174 = arith.constant 2 : i32
    %dma_wait3A_175 = arith.constant 0 : i32
    %dma_wait3A_176 = arith.constant 0 : i32
    %dma_wait3A_177 = tpu.memref_slice %arg8[%dma_wait3A_174, %dma_wait3A_175, %dma_wait3A_176] : memref<8x100x128xf32, #tpu.memory_space<vmem>> -> memref<1x100x128xf32, #tpu.memory_space<vmem>>
    %dma_wait3A_178 = tpu.memref_squeeze %dma_wait3A_177 : memref<1x100x128xf32, #tpu.memory_space<vmem>> -> memref<100x128xf32, #tpu.memory_space<vmem>>
    %dma_wait3A_179 = arith.constant 0 : i32
    %dma_wait3A_180 = tpu.memref_slice %arg7[%mul3A_173, %dma_wait3A_179] : memref<200x128xf32, #tpu.memory_space<vmem_shared>> -> memref<100x128xf32, #tpu.memory_space<vmem_shared>>
    %dma_wait3A_181 = arith.constant 0 : i32
    %dma_wait3A_182 = arith.constant 0 : i32
    %dma_wait3A_183 = tpu.memref_slice %arg8[%dma_wait3A_174, %dma_wait3A_181, %dma_wait3A_182] : memref<8x100x128xf32, #tpu.memory_space<vmem>> -> memref<1x100x128xf32, #tpu.memory_space<vmem>>
    %dma_wait3A_184 = tpu.memref_squeeze %dma_wait3A_183 : memref<1x100x128xf32, #tpu.memory_space<vmem>> -> memref<100x128xf32, #tpu.memory_space<vmem>>
    %dma_wait3A_185 = arith.constant 0 : i32
    %dma_wait3A_186 = tpu.memref_slice %arg7[%mul3A_173, %dma_wait3A_185] : memref<200x128xf32, #tpu.memory_space<vmem_shared>> -> memref<100x128xf32, #tpu.memory_space<vmem_shared>>
    tpu.wait_dma2 semaphore(%arg27 : memref<!tpu.dma_semaphore, #tpu.memory_space<semaphore_mem>>) src(%dma_wait3A_186 : memref<100x128xf32, #tpu.memory_space<vmem_shared>>) dst(%dma_wait3A_184 : memref<100x128xf32, #tpu.memory_space<vmem>>)
    %dma_start3A_187 = arith.constant 2 : i32
    %dma_start3A_188 = arith.constant 2 : i32
    %dma_start3A_189 = arith.constant 0 : i32
    %dma_start3A_190 = arith.constant 0 : i32
    %dma_start3A_191 = tpu.memref_slice %arg8[%dma_start3A_188, %dma_start3A_189, %dma_start3A_190] : memref<8x100x128xf32, #tpu.memory_space<vmem>> -> memref<1x100x128xf32, #tpu.memory_space<vmem>>
    %dma_start3A_192 = tpu.memref_squeeze %dma_start3A_191 : memref<1x100x128xf32, #tpu.memory_space<vmem>> -> memref<100x128xf32, #tpu.memory_space<vmem>>
    %dma_start3A_193 = arith.constant 0 : i32
    %dma_start3A_194 = tpu.memref_slice %arg6[%dma_start3A_187, %dma_start3A_193] : memref<64x100xi32, #tpu.memory_space<vmem>> -> memref<1x100xi32, #tpu.memory_space<vmem>>
    %dma_start3A_195 = tpu.memref_squeeze %dma_start3A_194 : memref<1x100xi32, #tpu.memory_space<vmem>> -> memref<100xi32, #tpu.memory_space<vmem>>
    %dma_start3A_196 = arith.constant 0 : i32
    %dma_start3A_197 = arith.constant 0 : i32
    %dma_start3A_198 = tpu.memref_slice %arg3[%dma_start3A_196, %dma_start3A_197] : memref<100000x128xf32, #tpu.memory_space<hbm>> -> memref<100000x128xf32, #tpu.memory_space<hbm>>
    tpu.enqueue_indirect_dma source(%dma_start3A_198 : memref<100000x128xf32, #tpu.memory_space<hbm>>) target(%dma_start3A_192 : memref<100x128xf32, #tpu.memory_space<vmem>>) offsets(%dma_start3A_195 : memref<100xi32, #tpu.memory_space<vmem>>) semaphore(%arg11 : memref<!tpu.dma_semaphore, #tpu.memory_space<semaphore_mem>>) {add = true}
    %rem3A_199 = arith.constant 2 : i32
    %rem3A_200 = arith.remsi %add3A, %rem3A_199 : i32
    %mul3A_201 = arith.constant 100 : i32
    %mul3A_202 = arith.muli %rem3A_200, %mul3A_201 : i32
    %dma_wait3A_203 = arith.constant 3 : i32
    %dma_wait3A_204 = arith.constant 0 : i32
    %dma_wait3A_205 = arith.constant 0 : i32
    %dma_wait3A_206 = tpu.memref_slice %arg8[%dma_wait3A_203, %dma_wait3A_204, %dma_wait3A_205] : memref<8x100x128xf32, #tpu.memory_space<vmem>> -> memref<1x100x128xf32, #tpu.memory_space<vmem>>
    %dma_wait3A_207 = tpu.memref_squeeze %dma_wait3A_206 : memref<1x100x128xf32, #tpu.memory_space<vmem>> -> memref<100x128xf32, #tpu.memory_space<vmem>>
    %dma_wait3A_208 = arith.constant 0 : i32
    %dma_wait3A_209 = tpu.memref_slice %arg7[%mul3A_202, %dma_wait3A_208] : memref<200x128xf32, #tpu.memory_space<vmem_shared>> -> memref<100x128xf32, #tpu.memory_space<vmem_shared>>
    %dma_wait3A_210 = arith.constant 0 : i32
    %dma_wait3A_211 = arith.constant 0 : i32
    %dma_wait3A_212 = tpu.memref_slice %arg8[%dma_wait3A_203, %dma_wait3A_210, %dma_wait3A_211] : memref<8x100x128xf32, #tpu.memory_space<vmem>> -> memref<1x100x128xf32, #tpu.memory_space<vmem>>
    %dma_wait3A_213 = tpu.memref_squeeze %dma_wait3A_212 : memref<1x100x128xf32, #tpu.memory_space<vmem>> -> memref<100x128xf32, #tpu.memory_space<vmem>>
    %dma_wait3A_214 = arith.constant 0 : i32
    %dma_wait3A_215 = tpu.memref_slice %arg7[%mul3A_202, %dma_wait3A_214] : memref<200x128xf32, #tpu.memory_space<vmem_shared>> -> memref<100x128xf32, #tpu.memory_space<vmem_shared>>
    tpu.wait_dma2 semaphore(%arg28 : memref<!tpu.dma_semaphore, #tpu.memory_space<semaphore_mem>>) src(%dma_wait3A_215 : memref<100x128xf32, #tpu.memory_space<vmem_shared>>) dst(%dma_wait3A_213 : memref<100x128xf32, #tpu.memory_space<vmem>>)
    %dma_start3A_216 = arith.constant 3 : i32
    %dma_start3A_217 = arith.constant 3 : i32
    %dma_start3A_218 = arith.constant 0 : i32
    %dma_start3A_219 = arith.constant 0 : i32
    %dma_start3A_220 = tpu.memref_slice %arg8[%dma_start3A_217, %dma_start3A_218, %dma_start3A_219] : memref<8x100x128xf32, #tpu.memory_space<vmem>> -> memref<1x100x128xf32, #tpu.memory_space<vmem>>
    %dma_start3A_221 = tpu.memref_squeeze %dma_start3A_220 : memref<1x100x128xf32, #tpu.memory_space<vmem>> -> memref<100x128xf32, #tpu.memory_space<vmem>>
    %dma_start3A_222 = arith.constant 0 : i32
    %dma_start3A_223 = tpu.memref_slice %arg6[%dma_start3A_216, %dma_start3A_222] : memref<64x100xi32, #tpu.memory_space<vmem>> -> memref<1x100xi32, #tpu.memory_space<vmem>>
    %dma_start3A_224 = tpu.memref_squeeze %dma_start3A_223 : memref<1x100xi32, #tpu.memory_space<vmem>> -> memref<100xi32, #tpu.memory_space<vmem>>
    %dma_start3A_225 = arith.constant 0 : i32
    %dma_start3A_226 = arith.constant 0 : i32
    %dma_start3A_227 = tpu.memref_slice %arg3[%dma_start3A_225, %dma_start3A_226] : memref<100000x128xf32, #tpu.memory_space<hbm>> -> memref<100000x128xf32, #tpu.memory_space<hbm>>
    tpu.enqueue_indirect_dma source(%dma_start3A_227 : memref<100000x128xf32, #tpu.memory_space<hbm>>) target(%dma_start3A_221 : memref<100x128xf32, #tpu.memory_space<vmem>>) offsets(%dma_start3A_224 : memref<100xi32, #tpu.memory_space<vmem>>) semaphore(%arg12 : memref<!tpu.dma_semaphore, #tpu.memory_space<semaphore_mem>>) {add = true}
    %scan3A = arith.constant 0 : i32
    %scan3A_228 = arith.constant 0 : i32
    %scan3A_229 = arith.constant 8 : i32
    %scan3A_230 = arith.addi %scan3A_228, %scan3A_229 : i32
    %scan3A_231 = arith.constant 1 : i32
    scf.for %scan3A_369 = %scan3A_228 to %scan3A_230 step %scan3A_231  : i32 {
      %mul3A_370 = arith.constant 8 : i32
      %mul3A_371 = arith.muli %scan3A_369, %mul3A_370 : i32
      %add3A_372 = arith.constant 0 : i32
      %add3A_373 = arith.addi %mul3A_371, %add3A_372 : i32
      %dma_wait3A_374 = arith.constant 0 : i32
      %dma_wait3A_375 = arith.constant 0 : i32
      %dma_wait3A_376 = arith.constant 0 : i32
      %dma_wait3A_377 = tpu.memref_slice %arg8[%dma_wait3A_374, %dma_wait3A_375, %dma_wait3A_376] : memref<8x100x128xf32, #tpu.memory_space<vmem>> -> memref<1x100x128xf32, #tpu.memory_space<vmem>>
      %dma_wait3A_378 = tpu.memref_squeeze %dma_wait3A_377 : memref<1x100x128xf32, #tpu.memory_space<vmem>> -> memref<100x128xf32, #tpu.memory_space<vmem>>
      %dma_wait3A_379 = arith.constant 0 : i32
      %dma_wait3A_380 = tpu.memref_slice %arg6[%add3A_373, %dma_wait3A_379] : memref<64x100xi32, #tpu.memory_space<vmem>> -> memref<1x100xi32, #tpu.memory_space<vmem>>
      %dma_wait3A_381 = tpu.memref_squeeze %dma_wait3A_380 : memref<1x100xi32, #tpu.memory_space<vmem>> -> memref<100xi32, #tpu.memory_space<vmem>>
      %dma_wait3A_382 = arith.constant 0 : i32
      %dma_wait3A_383 = arith.constant 0 : i32
      %dma_wait3A_384 = tpu.memref_slice %arg3[%dma_wait3A_382, %dma_wait3A_383] : memref<100000x128xf32, #tpu.memory_space<hbm>> -> memref<100000x128xf32, #tpu.memory_space<hbm>>
      tpu.wait_indirect_dma semaphore(%arg9 : memref<!tpu.dma_semaphore, #tpu.memory_space<semaphore_mem>>) src(%dma_wait3A_384 : memref<100000x128xf32, #tpu.memory_space<hbm>>) dst(%dma_wait3A_378 : memref<100x128xf32, #tpu.memory_space<vmem>>)
      %mul3A_385 = arith.constant 32 : i32
      %mul3A_386 = arith.muli %add3A_373, %mul3A_385 : i32
      %add3A_387 = arith.addi %mul3A_386, %add3A : i32
      %mul3A_388 = arith.constant 100 : i32
      %mul3A_389 = arith.muli %add3A_387, %mul3A_388 : i32
      %dma_start3A_390 = arith.constant 0 : i32
      %dma_start3A_391 = arith.constant 0 : i32
      %dma_start3A_392 = arith.constant 0 : i32
      %dma_start3A_393 = tpu.memref_slice %arg8[%dma_start3A_390, %dma_start3A_391, %dma_start3A_392] : memref<8x100x128xf32, #tpu.memory_space<vmem>> -> memref<1x100x128xf32, #tpu.memory_space<vmem>>
      %dma_start3A_394 = tpu.memref_squeeze %dma_start3A_393 : memref<1x100x128xf32, #tpu.memory_space<vmem>> -> memref<100x128xf32, #tpu.memory_space<vmem>>
      %dma_start3A_395 = arith.constant 0 : i32
      %dma_start3A_396 = tpu.memref_slice %arg5[%mul3A_389, %dma_start3A_395] : memref<204800x128xf32, #tpu.memory_space<hbm>> -> memref<100x128xf32, #tpu.memory_space<hbm>>
      %dma_start3A_397 = arith.constant 0 : i32
      %dma_start3A_398 = tpu.memref_slice %arg5[%mul3A_389, %dma_start3A_397] : memref<204800x128xf32, #tpu.memory_space<hbm>> -> memref<100x128xf32, #tpu.memory_space<hbm>>
      %dma_start3A_399 = arith.constant 0 : i32
      %dma_start3A_400 = arith.constant 0 : i32
      %dma_start3A_401 = tpu.memref_slice %arg8[%dma_start3A_390, %dma_start3A_399, %dma_start3A_400] : memref<8x100x128xf32, #tpu.memory_space<vmem>> -> memref<1x100x128xf32, #tpu.memory_space<vmem>>
      %dma_start3A_402 = tpu.memref_squeeze %dma_start3A_401 : memref<1x100x128xf32, #tpu.memory_space<vmem>> -> memref<100x128xf32, #tpu.memory_space<vmem>>
      tpu.enqueue_dma source(%dma_start3A_402 : memref<100x128xf32, #tpu.memory_space<vmem>>) target(%dma_start3A_398 : memref<100x128xf32, #tpu.memory_space<hbm>>) target_semaphore(%arg17 : memref<!tpu.dma_semaphore, #tpu.memory_space<semaphore_mem>>)
      %add3A_403 = arith.constant 6 : i32
      %add3A_404 = arith.addi %add3A_373, %add3A_403 : i32
      %lt3A = arith.constant 64 : i32
      %lt3A_405 = arith.cmpi slt, %add3A_404, %lt3A : i32
      %convert_element_type3A_406 = arith.extui %lt3A_405 : i1 to i32
      %cond3A_407 = arith.constant 0 : i32
      %cond3A_408 = arith.cmpi ne, %convert_element_type3A_406, %cond3A_407 : i32
      scf.if %cond3A_408 {
        %ge3A = arith.constant 8 : i32
        %ge3A_745 = arith.cmpi sge, %add3A_404, %ge3A : i32
        %convert_element_type3A_746 = arith.extui %ge3A_745 : i1 to i32
        %cond3A_747 = arith.constant 0 : i32
        %cond3A_748 = arith.cmpi ne, %convert_element_type3A_746, %cond3A_747 : i32
        scf.if %cond3A_748 {
          %sub3A = arith.constant 8 : i32
          %sub3A_766 = arith.subi %add3A_404, %sub3A : i32
          %mul3A_767 = arith.constant 32 : i32
          %mul3A_768 = arith.muli %sub3A_766, %mul3A_767 : i32
          %add3A_769 = arith.addi %mul3A_768, %add3A : i32
          %mul3A_770 = arith.constant 100 : i32
          %mul3A_771 = arith.muli %add3A_769, %mul3A_770 : i32
          %dma_wait3A_772 = arith.constant 6 : i32
          %dma_wait3A_773 = arith.constant 0 : i32
          %dma_wait3A_774 = arith.constant 0 : i32
          %dma_wait3A_775 = tpu.memref_slice %arg8[%dma_wait3A_772, %dma_wait3A_773, %dma_wait3A_774] : memref<8x100x128xf32, #tpu.memory_space<vmem>> -> memref<1x100x128xf32, #tpu.memory_space<vmem>>
          %dma_wait3A_776 = tpu.memref_squeeze %dma_wait3A_775 : memref<1x100x128xf32, #tpu.memory_space<vmem>> -> memref<100x128xf32, #tpu.memory_space<vmem>>
          %dma_wait3A_777 = arith.constant 0 : i32
          %dma_wait3A_778 = tpu.memref_slice %arg5[%mul3A_771, %dma_wait3A_777] : memref<204800x128xf32, #tpu.memory_space<hbm>> -> memref<100x128xf32, #tpu.memory_space<hbm>>
          %dma_wait3A_779 = arith.constant 0 : i32
          %dma_wait3A_780 = tpu.memref_slice %arg5[%mul3A_771, %dma_wait3A_779] : memref<204800x128xf32, #tpu.memory_space<hbm>> -> memref<100x128xf32, #tpu.memory_space<hbm>>
          %dma_wait3A_781 = arith.constant 0 : i32
          %dma_wait3A_782 = arith.constant 0 : i32
          %dma_wait3A_783 = tpu.memref_slice %arg8[%dma_wait3A_772, %dma_wait3A_781, %dma_wait3A_782] : memref<8x100x128xf32, #tpu.memory_space<vmem>> -> memref<1x100x128xf32, #tpu.memory_space<vmem>>
          %dma_wait3A_784 = tpu.memref_squeeze %dma_wait3A_783 : memref<1x100x128xf32, #tpu.memory_space<vmem>> -> memref<100x128xf32, #tpu.memory_space<vmem>>
          tpu.wait_dma2 semaphore(%arg23 : memref<!tpu.dma_semaphore, #tpu.memory_space<semaphore_mem>>) src(%dma_wait3A_784 : memref<100x128xf32, #tpu.memory_space<vmem>>) dst(%dma_wait3A_780 : memref<100x128xf32, #tpu.memory_space<hbm>>)
        } else {
        }
        %rem3A_749 = arith.constant 2 : i32
        %rem3A_750 = arith.remsi %add3A, %rem3A_749 : i32
        %mul3A_751 = arith.constant 100 : i32
        %mul3A_752 = arith.muli %rem3A_750, %mul3A_751 : i32
        %dma_start3A_753 = arith.constant 6 : i32
        %dma_start3A_754 = arith.constant 0 : i32
        %dma_start3A_755 = arith.constant 0 : i32
        %dma_start3A_756 = tpu.memref_slice %arg8[%dma_start3A_753, %dma_start3A_754, %dma_start3A_755] : memref<8x100x128xf32, #tpu.memory_space<vmem>> -> memref<1x100x128xf32, #tpu.memory_space<vmem>>
        %dma_start3A_757 = tpu.memref_squeeze %dma_start3A_756 : memref<1x100x128xf32, #tpu.memory_space<vmem>> -> memref<100x128xf32, #tpu.memory_space<vmem>>
        %dma_start3A_758 = arith.constant 0 : i32
        %dma_start3A_759 = tpu.memref_slice %arg7[%mul3A_752, %dma_start3A_758] : memref<200x128xf32, #tpu.memory_space<vmem_shared>> -> memref<100x128xf32, #tpu.memory_space<vmem_shared>>
        %dma_start3A_760 = arith.constant 0 : i32
        %dma_start3A_761 = arith.constant 0 : i32
        %dma_start3A_762 = tpu.memref_slice %arg8[%dma_start3A_753, %dma_start3A_760, %dma_start3A_761] : memref<8x100x128xf32, #tpu.memory_space<vmem>> -> memref<1x100x128xf32, #tpu.memory_space<vmem>>
        %dma_start3A_763 = tpu.memref_squeeze %dma_start3A_762 : memref<1x100x128xf32, #tpu.memory_space<vmem>> -> memref<100x128xf32, #tpu.memory_space<vmem>>
        %dma_start3A_764 = arith.constant 0 : i32
        %dma_start3A_765 = tpu.memref_slice %arg7[%mul3A_752, %dma_start3A_764] : memref<200x128xf32, #tpu.memory_space<vmem_shared>> -> memref<100x128xf32, #tpu.memory_space<vmem_shared>>
        tpu.enqueue_dma source(%dma_start3A_765 : memref<100x128xf32, #tpu.memory_space<vmem_shared>>) target(%dma_start3A_763 : memref<100x128xf32, #tpu.memory_space<vmem>>) target_semaphore(%arg31 : memref<!tpu.dma_semaphore, #tpu.memory_space<semaphore_mem>>)
      } else {
      }
      %add3A_409 = arith.constant 4 : i32
      %add3A_410 = arith.addi %add3A_373, %add3A_409 : i32
      %lt3A_411 = arith.constant 64 : i32
      %lt3A_412 = arith.cmpi slt, %add3A_410, %lt3A_411 : i32
      %convert_element_type3A_413 = arith.extui %lt3A_412 : i1 to i32
      %cond3A_414 = arith.constant 0 : i32
      %cond3A_415 = arith.cmpi ne, %convert_element_type3A_413, %cond3A_414 : i32
      scf.if %cond3A_415 {
        %rem3A_745 = arith.constant 2 : i32
        %rem3A_746 = arith.remsi %add3A, %rem3A_745 : i32
        %mul3A_747 = arith.constant 100 : i32
        %mul3A_748 = arith.muli %rem3A_746, %mul3A_747 : i32
        %dma_wait3A_749 = arith.constant 4 : i32
        %dma_wait3A_750 = arith.constant 0 : i32
        %dma_wait3A_751 = arith.constant 0 : i32
        %dma_wait3A_752 = tpu.memref_slice %arg8[%dma_wait3A_749, %dma_wait3A_750, %dma_wait3A_751] : memref<8x100x128xf32, #tpu.memory_space<vmem>> -> memref<1x100x128xf32, #tpu.memory_space<vmem>>
        %dma_wait3A_753 = tpu.memref_squeeze %dma_wait3A_752 : memref<1x100x128xf32, #tpu.memory_space<vmem>> -> memref<100x128xf32, #tpu.memory_space<vmem>>
        %dma_wait3A_754 = arith.constant 0 : i32
        %dma_wait3A_755 = tpu.memref_slice %arg7[%mul3A_748, %dma_wait3A_754] : memref<200x128xf32, #tpu.memory_space<vmem_shared>> -> memref<100x128xf32, #tpu.memory_space<vmem_shared>>
        %dma_wait3A_756 = arith.constant 0 : i32
        %dma_wait3A_757 = arith.constant 0 : i32
        %dma_wait3A_758 = tpu.memref_slice %arg8[%dma_wait3A_749, %dma_wait3A_756, %dma_wait3A_757] : memref<8x100x128xf32, #tpu.memory_space<vmem>> -> memref<1x100x128xf32, #tpu.memory_space<vmem>>
        %dma_wait3A_759 = tpu.memref_squeeze %dma_wait3A_758 : memref<1x100x128xf32, #tpu.memory_space<vmem>> -> memref<100x128xf32, #tpu.memory_space<vmem>>
        %dma_wait3A_760 = arith.constant 0 : i32
        %dma_wait3A_761 = tpu.memref_slice %arg7[%mul3A_748, %dma_wait3A_760] : memref<200x128xf32, #tpu.memory_space<vmem_shared>> -> memref<100x128xf32, #tpu.memory_space<vmem_shared>>
        tpu.wait_dma2 semaphore(%arg29 : memref<!tpu.dma_semaphore, #tpu.memory_space<semaphore_mem>>) src(%dma_wait3A_761 : memref<100x128xf32, #tpu.memory_space<vmem_shared>>) dst(%dma_wait3A_759 : memref<100x128xf32, #tpu.memory_space<vmem>>)
        %dma_start3A_762 = arith.constant 4 : i32
        %dma_start3A_763 = arith.constant 0 : i32
        %dma_start3A_764 = arith.constant 0 : i32
        %dma_start3A_765 = tpu.memref_slice %arg8[%dma_start3A_762, %dma_start3A_763, %dma_start3A_764] : memref<8x100x128xf32, #tpu.memory_space<vmem>> -> memref<1x100x128xf32, #tpu.memory_space<vmem>>
        %dma_start3A_766 = tpu.memref_squeeze %dma_start3A_765 : memref<1x100x128xf32, #tpu.memory_space<vmem>> -> memref<100x128xf32, #tpu.memory_space<vmem>>
        %dma_start3A_767 = arith.constant 0 : i32
        %dma_start3A_768 = tpu.memref_slice %arg6[%add3A_410, %dma_start3A_767] : memref<64x100xi32, #tpu.memory_space<vmem>> -> memref<1x100xi32, #tpu.memory_space<vmem>>
        %dma_start3A_769 = tpu.memref_squeeze %dma_start3A_768 : memref<1x100xi32, #tpu.memory_space<vmem>> -> memref<100xi32, #tpu.memory_space<vmem>>
        %dma_start3A_770 = arith.constant 0 : i32
        %dma_start3A_771 = arith.constant 0 : i32
        %dma_start3A_772 = tpu.memref_slice %arg3[%dma_start3A_770, %dma_start3A_771] : memref<100000x128xf32, #tpu.memory_space<hbm>> -> memref<100000x128xf32, #tpu.memory_space<hbm>>
        tpu.enqueue_indirect_dma source(%dma_start3A_772 : memref<100000x128xf32, #tpu.memory_space<hbm>>) target(%dma_start3A_766 : memref<100x128xf32, #tpu.memory_space<vmem>>) offsets(%dma_start3A_769 : memref<100xi32, #tpu.memory_space<vmem>>) semaphore(%arg13 : memref<!tpu.dma_semaphore, #tpu.memory_space<semaphore_mem>>) {add = true}
      } else {
      }
      %mul3A_416 = arith.constant 8 : i32
      %mul3A_417 = arith.muli %scan3A_369, %mul3A_416 : i32
      %add3A_418 = arith.constant 1 : i32
      %add3A_419 = arith.addi %mul3A_417, %add3A_418 : i32
      %dma_wait3A_420 = arith.constant 1 : i32
      %dma_wait3A_421 = arith.constant 0 : i32
      %dma_wait3A_422 = arith.constant 0 : i32
      %dma_wait3A_423 = tpu.memref_slice %arg8[%dma_wait3A_420, %dma_wait3A_421, %dma_wait3A_422] : memref<8x100x128xf32, #tpu.memory_space<vmem>> -> memref<1x100x128xf32, #tpu.memory_space<vmem>>
      %dma_wait3A_424 = tpu.memref_squeeze %dma_wait3A_423 : memref<1x100x128xf32, #tpu.memory_space<vmem>> -> memref<100x128xf32, #tpu.memory_space<vmem>>
      %dma_wait3A_425 = arith.constant 0 : i32
      %dma_wait3A_426 = tpu.memref_slice %arg6[%add3A_419, %dma_wait3A_425] : memref<64x100xi32, #tpu.memory_space<vmem>> -> memref<1x100xi32, #tpu.memory_space<vmem>>
      %dma_wait3A_427 = tpu.memref_squeeze %dma_wait3A_426 : memref<1x100xi32, #tpu.memory_space<vmem>> -> memref<100xi32, #tpu.memory_space<vmem>>
      %dma_wait3A_428 = arith.constant 0 : i32
      %dma_wait3A_429 = arith.constant 0 : i32
      %dma_wait3A_430 = tpu.memref_slice %arg3[%dma_wait3A_428, %dma_wait3A_429] : memref<100000x128xf32, #tpu.memory_space<hbm>> -> memref<100000x128xf32, #tpu.memory_space<hbm>>
      tpu.wait_indirect_dma semaphore(%arg10 : memref<!tpu.dma_semaphore, #tpu.memory_space<semaphore_mem>>) src(%dma_wait3A_430 : memref<100000x128xf32, #tpu.memory_space<hbm>>) dst(%dma_wait3A_424 : memref<100x128xf32, #tpu.memory_space<vmem>>)
      %mul3A_431 = arith.constant 32 : i32
      %mul3A_432 = arith.muli %add3A_419, %mul3A_431 : i32
      %add3A_433 = arith.addi %mul3A_432, %add3A : i32
      %mul3A_434 = arith.constant 100 : i32
      %mul3A_435 = arith.muli %add3A_433, %mul3A_434 : i32
      %dma_start3A_436 = arith.constant 1 : i32
      %dma_start3A_437 = arith.constant 0 : i32
      %dma_start3A_438 = arith.constant 0 : i32
      %dma_start3A_439 = tpu.memref_slice %arg8[%dma_start3A_436, %dma_start3A_437, %dma_start3A_438] : memref<8x100x128xf32, #tpu.memory_space<vmem>> -> memref<1x100x128xf32, #tpu.memory_space<vmem>>
      %dma_start3A_440 = tpu.memref_squeeze %dma_start3A_439 : memref<1x100x128xf32, #tpu.memory_space<vmem>> -> memref<100x128xf32, #tpu.memory_space<vmem>>
      %dma_start3A_441 = arith.constant 0 : i32
      %dma_start3A_442 = tpu.memref_slice %arg5[%mul3A_435, %dma_start3A_441] : memref<204800x128xf32, #tpu.memory_space<hbm>> -> memref<100x128xf32, #tpu.memory_space<hbm>>
      %dma_start3A_443 = arith.constant 0 : i32
      %dma_start3A_444 = tpu.memref_slice %arg5[%mul3A_435, %dma_start3A_443] : memref<204800x128xf32, #tpu.memory_space<hbm>> -> memref<100x128xf32, #tpu.memory_space<hbm>>
      %dma_start3A_445 = arith.constant 0 : i32
      %dma_start3A_446 = arith.constant 0 : i32
      %dma_start3A_447 = tpu.memref_slice %arg8[%dma_start3A_436, %dma_start3A_445, %dma_start3A_446] : memref<8x100x128xf32, #tpu.memory_space<vmem>> -> memref<1x100x128xf32, #tpu.memory_space<vmem>>
      %dma_start3A_448 = tpu.memref_squeeze %dma_start3A_447 : memref<1x100x128xf32, #tpu.memory_space<vmem>> -> memref<100x128xf32, #tpu.memory_space<vmem>>
      tpu.enqueue_dma source(%dma_start3A_448 : memref<100x128xf32, #tpu.memory_space<vmem>>) target(%dma_start3A_444 : memref<100x128xf32, #tpu.memory_space<hbm>>) target_semaphore(%arg18 : memref<!tpu.dma_semaphore, #tpu.memory_space<semaphore_mem>>)
      %add3A_449 = arith.constant 6 : i32
      %add3A_450 = arith.addi %add3A_419, %add3A_449 : i32
      %lt3A_451 = arith.constant 64 : i32
      %lt3A_452 = arith.cmpi slt, %add3A_450, %lt3A_451 : i32
      %convert_element_type3A_453 = arith.extui %lt3A_452 : i1 to i32
      %cond3A_454 = arith.constant 0 : i32
      %cond3A_455 = arith.cmpi ne, %convert_element_type3A_453, %cond3A_454 : i32
      scf.if %cond3A_455 {
        %ge3A = arith.constant 8 : i32
        %ge3A_745 = arith.cmpi sge, %add3A_450, %ge3A : i32
        %convert_element_type3A_746 = arith.extui %ge3A_745 : i1 to i32
        %cond3A_747 = arith.constant 0 : i32
        %cond3A_748 = arith.cmpi ne, %convert_element_type3A_746, %cond3A_747 : i32
        scf.if %cond3A_748 {
          %sub3A = arith.constant 8 : i32
          %sub3A_766 = arith.subi %add3A_450, %sub3A : i32
          %mul3A_767 = arith.constant 32 : i32
          %mul3A_768 = arith.muli %sub3A_766, %mul3A_767 : i32
          %add3A_769 = arith.addi %mul3A_768, %add3A : i32
          %mul3A_770 = arith.constant 100 : i32
          %mul3A_771 = arith.muli %add3A_769, %mul3A_770 : i32
          %dma_wait3A_772 = arith.constant 7 : i32
          %dma_wait3A_773 = arith.constant 0 : i32
          %dma_wait3A_774 = arith.constant 0 : i32
          %dma_wait3A_775 = tpu.memref_slice %arg8[%dma_wait3A_772, %dma_wait3A_773, %dma_wait3A_774] : memref<8x100x128xf32, #tpu.memory_space<vmem>> -> memref<1x100x128xf32, #tpu.memory_space<vmem>>
          %dma_wait3A_776 = tpu.memref_squeeze %dma_wait3A_775 : memref<1x100x128xf32, #tpu.memory_space<vmem>> -> memref<100x128xf32, #tpu.memory_space<vmem>>
          %dma_wait3A_777 = arith.constant 0 : i32
          %dma_wait3A_778 = tpu.memref_slice %arg5[%mul3A_771, %dma_wait3A_777] : memref<204800x128xf32, #tpu.memory_space<hbm>> -> memref<100x128xf32, #tpu.memory_space<hbm>>
          %dma_wait3A_779 = arith.constant 0 : i32
          %dma_wait3A_780 = tpu.memref_slice %arg5[%mul3A_771, %dma_wait3A_779] : memref<204800x128xf32, #tpu.memory_space<hbm>> -> memref<100x128xf32, #tpu.memory_space<hbm>>
          %dma_wait3A_781 = arith.constant 0 : i32
          %dma_wait3A_782 = arith.constant 0 : i32
          %dma_wait3A_783 = tpu.memref_slice %arg8[%dma_wait3A_772, %dma_wait3A_781, %dma_wait3A_782] : memref<8x100x128xf32, #tpu.memory_space<vmem>> -> memref<1x100x128xf32, #tpu.memory_space<vmem>>
          %dma_wait3A_784 = tpu.memref_squeeze %dma_wait3A_783 : memref<1x100x128xf32, #tpu.memory_space<vmem>> -> memref<100x128xf32, #tpu.memory_space<vmem>>
          tpu.wait_dma2 semaphore(%arg24 : memref<!tpu.dma_semaphore, #tpu.memory_space<semaphore_mem>>) src(%dma_wait3A_784 : memref<100x128xf32, #tpu.memory_space<vmem>>) dst(%dma_wait3A_780 : memref<100x128xf32, #tpu.memory_space<hbm>>)
        } else {
        }
        %rem3A_749 = arith.constant 2 : i32
        %rem3A_750 = arith.remsi %add3A, %rem3A_749 : i32
        %mul3A_751 = arith.constant 100 : i32
        %mul3A_752 = arith.muli %rem3A_750, %mul3A_751 : i32
        %dma_start3A_753 = arith.constant 7 : i32
        %dma_start3A_754 = arith.constant 0 : i32
        %dma_start3A_755 = arith.constant 0 : i32
        %dma_start3A_756 = tpu.memref_slice %arg8[%dma_start3A_753, %dma_start3A_754, %dma_start3A_755] : memref<8x100x128xf32, #tpu.memory_space<vmem>> -> memref<1x100x128xf32, #tpu.memory_space<vmem>>
        %dma_start3A_757 = tpu.memref_squeeze %dma_start3A_756 : memref<1x100x128xf32, #tpu.memory_space<vmem>> -> memref<100x128xf32, #tpu.memory_space<vmem>>
        %dma_start3A_758 = arith.constant 0 : i32
        %dma_start3A_759 = tpu.memref_slice %arg7[%mul3A_752, %dma_start3A_758] : memref<200x128xf32, #tpu.memory_space<vmem_shared>> -> memref<100x128xf32, #tpu.memory_space<vmem_shared>>
        %dma_start3A_760 = arith.constant 0 : i32
        %dma_start3A_761 = arith.constant 0 : i32
        %dma_start3A_762 = tpu.memref_slice %arg8[%dma_start3A_753, %dma_start3A_760, %dma_start3A_761] : memref<8x100x128xf32, #tpu.memory_space<vmem>> -> memref<1x100x128xf32, #tpu.memory_space<vmem>>
        %dma_start3A_763 = tpu.memref_squeeze %dma_start3A_762 : memref<1x100x128xf32, #tpu.memory_space<vmem>> -> memref<100x128xf32, #tpu.memory_space<vmem>>
        %dma_start3A_764 = arith.constant 0 : i32
        %dma_start3A_765 = tpu.memref_slice %arg7[%mul3A_752, %dma_start3A_764] : memref<200x128xf32, #tpu.memory_space<vmem_shared>> -> memref<100x128xf32, #tpu.memory_space<vmem_shared>>
        tpu.enqueue_dma source(%dma_start3A_765 : memref<100x128xf32, #tpu.memory_space<vmem_shared>>) target(%dma_start3A_763 : memref<100x128xf32, #tpu.memory_space<vmem>>) target_semaphore(%arg32 : memref<!tpu.dma_semaphore, #tpu.memory_space<semaphore_mem>>)
      } else {
      }
      %add3A_456 = arith.constant 4 : i32
      %add3A_457 = arith.addi %add3A_419, %add3A_456 : i32
      %lt3A_458 = arith.constant 64 : i32
      %lt3A_459 = arith.cmpi slt, %add3A_457, %lt3A_458 : i32
      %convert_element_type3A_460 = arith.extui %lt3A_459 : i1 to i32
      %cond3A_461 = arith.constant 0 : i32
      %cond3A_462 = arith.cmpi ne, %convert_element_type3A_460, %cond3A_461 : i32
      scf.if %cond3A_462 {
        %rem3A_745 = arith.constant 2 : i32
        %rem3A_746 = arith.remsi %add3A, %rem3A_745 : i32
        %mul3A_747 = arith.constant 100 : i32
        %mul3A_748 = arith.muli %rem3A_746, %mul3A_747 : i32
        %dma_wait3A_749 = arith.constant 5 : i32
        %dma_wait3A_750 = arith.constant 0 : i32
        %dma_wait3A_751 = arith.constant 0 : i32
        %dma_wait3A_752 = tpu.memref_slice %arg8[%dma_wait3A_749, %dma_wait3A_750, %dma_wait3A_751] : memref<8x100x128xf32, #tpu.memory_space<vmem>> -> memref<1x100x128xf32, #tpu.memory_space<vmem>>
        %dma_wait3A_753 = tpu.memref_squeeze %dma_wait3A_752 : memref<1x100x128xf32, #tpu.memory_space<vmem>> -> memref<100x128xf32, #tpu.memory_space<vmem>>
        %dma_wait3A_754 = arith.constant 0 : i32
        %dma_wait3A_755 = tpu.memref_slice %arg7[%mul3A_748, %dma_wait3A_754] : memref<200x128xf32, #tpu.memory_space<vmem_shared>> -> memref<100x128xf32, #tpu.memory_space<vmem_shared>>
        %dma_wait3A_756 = arith.constant 0 : i32
        %dma_wait3A_757 = arith.constant 0 : i32
        %dma_wait3A_758 = tpu.memref_slice %arg8[%dma_wait3A_749, %dma_wait3A_756, %dma_wait3A_757] : memref<8x100x128xf32, #tpu.memory_space<vmem>> -> memref<1x100x128xf32, #tpu.memory_space<vmem>>
        %dma_wait3A_759 = tpu.memref_squeeze %dma_wait3A_758 : memref<1x100x128xf32, #tpu.memory_space<vmem>> -> memref<100x128xf32, #tpu.memory_space<vmem>>
        %dma_wait3A_760 = arith.constant 0 : i32
        %dma_wait3A_761 = tpu.memref_slice %arg7[%mul3A_748, %dma_wait3A_760] : memref<200x128xf32, #tpu.memory_space<vmem_shared>> -> memref<100x128xf32, #tpu.memory_space<vmem_shared>>
        tpu.wait_dma2 semaphore(%arg30 : memref<!tpu.dma_semaphore, #tpu.memory_space<semaphore_mem>>) src(%dma_wait3A_761 : memref<100x128xf32, #tpu.memory_space<vmem_shared>>) dst(%dma_wait3A_759 : memref<100x128xf32, #tpu.memory_space<vmem>>)
        %dma_start3A_762 = arith.constant 5 : i32
        %dma_start3A_763 = arith.constant 0 : i32
        %dma_start3A_764 = arith.constant 0 : i32
        %dma_start3A_765 = tpu.memref_slice %arg8[%dma_start3A_762, %dma_start3A_763, %dma_start3A_764] : memref<8x100x128xf32, #tpu.memory_space<vmem>> -> memref<1x100x128xf32, #tpu.memory_space<vmem>>
        %dma_start3A_766 = tpu.memref_squeeze %dma_start3A_765 : memref<1x100x128xf32, #tpu.memory_space<vmem>> -> memref<100x128xf32, #tpu.memory_space<vmem>>
        %dma_start3A_767 = arith.constant 0 : i32
        %dma_start3A_768 = tpu.memref_slice %arg6[%add3A_457, %dma_start3A_767] : memref<64x100xi32, #tpu.memory_space<vmem>> -> memref<1x100xi32, #tpu.memory_space<vmem>>
        %dma_start3A_769 = tpu.memref_squeeze %dma_start3A_768 : memref<1x100xi32, #tpu.memory_space<vmem>> -> memref<100xi32, #tpu.memory_space<vmem>>
        %dma_start3A_770 = arith.constant 0 : i32
        %dma_start3A_771 = arith.constant 0 : i32
        %dma_start3A_772 = tpu.memref_slice %arg3[%dma_start3A_770, %dma_start3A_771] : memref<100000x128xf32, #tpu.memory_space<hbm>> -> memref<100000x128xf32, #tpu.memory_space<hbm>>
        tpu.enqueue_indirect_dma source(%dma_start3A_772 : memref<100000x128xf32, #tpu.memory_space<hbm>>) target(%dma_start3A_766 : memref<100x128xf32, #tpu.memory_space<vmem>>) offsets(%dma_start3A_769 : memref<100xi32, #tpu.memory_space<vmem>>) semaphore(%arg14 : memref<!tpu.dma_semaphore, #tpu.memory_space<semaphore_mem>>) {add = true}
      } else {
      }
      %mul3A_463 = arith.constant 8 : i32
      %mul3A_464 = arith.muli %scan3A_369, %mul3A_463 : i32
      %add3A_465 = arith.constant 2 : i32
      %add3A_466 = arith.addi %mul3A_464, %add3A_465 : i32
      %dma_wait3A_467 = arith.constant 2 : i32
      %dma_wait3A_468 = arith.constant 0 : i32
      %dma_wait3A_469 = arith.constant 0 : i32
      %dma_wait3A_470 = tpu.memref_slice %arg8[%dma_wait3A_467, %dma_wait3A_468, %dma_wait3A_469] : memref<8x100x128xf32, #tpu.memory_space<vmem>> -> memref<1x100x128xf32, #tpu.memory_space<vmem>>
      %dma_wait3A_471 = tpu.memref_squeeze %dma_wait3A_470 : memref<1x100x128xf32, #tpu.memory_space<vmem>> -> memref<100x128xf32, #tpu.memory_space<vmem>>
      %dma_wait3A_472 = arith.constant 0 : i32
      %dma_wait3A_473 = tpu.memref_slice %arg6[%add3A_466, %dma_wait3A_472] : memref<64x100xi32, #tpu.memory_space<vmem>> -> memref<1x100xi32, #tpu.memory_space<vmem>>
      %dma_wait3A_474 = tpu.memref_squeeze %dma_wait3A_473 : memref<1x100xi32, #tpu.memory_space<vmem>> -> memref<100xi32, #tpu.memory_space<vmem>>
      %dma_wait3A_475 = arith.constant 0 : i32
      %dma_wait3A_476 = arith.constant 0 : i32
      %dma_wait3A_477 = tpu.memref_slice %arg3[%dma_wait3A_475, %dma_wait3A_476] : memref<100000x128xf32, #tpu.memory_space<hbm>> -> memref<100000x128xf32, #tpu.memory_space<hbm>>
      tpu.wait_indirect_dma semaphore(%arg11 : memref<!tpu.dma_semaphore, #tpu.memory_space<semaphore_mem>>) src(%dma_wait3A_477 : memref<100000x128xf32, #tpu.memory_space<hbm>>) dst(%dma_wait3A_471 : memref<100x128xf32, #tpu.memory_space<vmem>>)
      %mul3A_478 = arith.constant 32 : i32
      %mul3A_479 = arith.muli %add3A_466, %mul3A_478 : i32
      %add3A_480 = arith.addi %mul3A_479, %add3A : i32
      %mul3A_481 = arith.constant 100 : i32
      %mul3A_482 = arith.muli %add3A_480, %mul3A_481 : i32
      %dma_start3A_483 = arith.constant 2 : i32
      %dma_start3A_484 = arith.constant 0 : i32
      %dma_start3A_485 = arith.constant 0 : i32
      %dma_start3A_486 = tpu.memref_slice %arg8[%dma_start3A_483, %dma_start3A_484, %dma_start3A_485] : memref<8x100x128xf32, #tpu.memory_space<vmem>> -> memref<1x100x128xf32, #tpu.memory_space<vmem>>
      %dma_start3A_487 = tpu.memref_squeeze %dma_start3A_486 : memref<1x100x128xf32, #tpu.memory_space<vmem>> -> memref<100x128xf32, #tpu.memory_space<vmem>>
      %dma_start3A_488 = arith.constant 0 : i32
      %dma_start3A_489 = tpu.memref_slice %arg5[%mul3A_482, %dma_start3A_488] : memref<204800x128xf32, #tpu.memory_space<hbm>> -> memref<100x128xf32, #tpu.memory_space<hbm>>
      %dma_start3A_490 = arith.constant 0 : i32
      %dma_start3A_491 = tpu.memref_slice %arg5[%mul3A_482, %dma_start3A_490] : memref<204800x128xf32, #tpu.memory_space<hbm>> -> memref<100x128xf32, #tpu.memory_space<hbm>>
      %dma_start3A_492 = arith.constant 0 : i32
      %dma_start3A_493 = arith.constant 0 : i32
      %dma_start3A_494 = tpu.memref_slice %arg8[%dma_start3A_483, %dma_start3A_492, %dma_start3A_493] : memref<8x100x128xf32, #tpu.memory_space<vmem>> -> memref<1x100x128xf32, #tpu.memory_space<vmem>>
      %dma_start3A_495 = tpu.memref_squeeze %dma_start3A_494 : memref<1x100x128xf32, #tpu.memory_space<vmem>> -> memref<100x128xf32, #tpu.memory_space<vmem>>
      tpu.enqueue_dma source(%dma_start3A_495 : memref<100x128xf32, #tpu.memory_space<vmem>>) target(%dma_start3A_491 : memref<100x128xf32, #tpu.memory_space<hbm>>) target_semaphore(%arg19 : memref<!tpu.dma_semaphore, #tpu.memory_space<semaphore_mem>>)
      %add3A_496 = arith.constant 6 : i32
      %add3A_497 = arith.addi %add3A_466, %add3A_496 : i32
      %lt3A_498 = arith.constant 64 : i32
      %lt3A_499 = arith.cmpi slt, %add3A_497, %lt3A_498 : i32
      %convert_element_type3A_500 = arith.extui %lt3A_499 : i1 to i32
      %cond3A_501 = arith.constant 0 : i32
      %cond3A_502 = arith.cmpi ne, %convert_element_type3A_500, %cond3A_501 : i32
      scf.if %cond3A_502 {
        %ge3A = arith.constant 8 : i32
        %ge3A_745 = arith.cmpi sge, %add3A_497, %ge3A : i32
        %convert_element_type3A_746 = arith.extui %ge3A_745 : i1 to i32
        %cond3A_747 = arith.constant 0 : i32
        %cond3A_748 = arith.cmpi ne, %convert_element_type3A_746, %cond3A_747 : i32
        scf.if %cond3A_748 {
          %sub3A = arith.constant 8 : i32
          %sub3A_766 = arith.subi %add3A_497, %sub3A : i32
          %mul3A_767 = arith.constant 32 : i32
          %mul3A_768 = arith.muli %sub3A_766, %mul3A_767 : i32
          %add3A_769 = arith.addi %mul3A_768, %add3A : i32
          %mul3A_770 = arith.constant 100 : i32
          %mul3A_771 = arith.muli %add3A_769, %mul3A_770 : i32
          %dma_wait3A_772 = arith.constant 0 : i32
          %dma_wait3A_773 = arith.constant 0 : i32
          %dma_wait3A_774 = arith.constant 0 : i32
          %dma_wait3A_775 = tpu.memref_slice %arg8[%dma_wait3A_772, %dma_wait3A_773, %dma_wait3A_774] : memref<8x100x128xf32, #tpu.memory_space<vmem>> -> memref<1x100x128xf32, #tpu.memory_space<vmem>>
          %dma_wait3A_776 = tpu.memref_squeeze %dma_wait3A_775 : memref<1x100x128xf32, #tpu.memory_space<vmem>> -> memref<100x128xf32, #tpu.memory_space<vmem>>
          %dma_wait3A_777 = arith.constant 0 : i32
          %dma_wait3A_778 = tpu.memref_slice %arg5[%mul3A_771, %dma_wait3A_777] : memref<204800x128xf32, #tpu.memory_space<hbm>> -> memref<100x128xf32, #tpu.memory_space<hbm>>
          %dma_wait3A_779 = arith.constant 0 : i32
          %dma_wait3A_780 = tpu.memref_slice %arg5[%mul3A_771, %dma_wait3A_779] : memref<204800x128xf32, #tpu.memory_space<hbm>> -> memref<100x128xf32, #tpu.memory_space<hbm>>
          %dma_wait3A_781 = arith.constant 0 : i32
          %dma_wait3A_782 = arith.constant 0 : i32
          %dma_wait3A_783 = tpu.memref_slice %arg8[%dma_wait3A_772, %dma_wait3A_781, %dma_wait3A_782] : memref<8x100x128xf32, #tpu.memory_space<vmem>> -> memref<1x100x128xf32, #tpu.memory_space<vmem>>
          %dma_wait3A_784 = tpu.memref_squeeze %dma_wait3A_783 : memref<1x100x128xf32, #tpu.memory_space<vmem>> -> memref<100x128xf32, #tpu.memory_space<vmem>>
          tpu.wait_dma2 semaphore(%arg17 : memref<!tpu.dma_semaphore, #tpu.memory_space<semaphore_mem>>) src(%dma_wait3A_784 : memref<100x128xf32, #tpu.memory_space<vmem>>) dst(%dma_wait3A_780 : memref<100x128xf32, #tpu.memory_space<hbm>>)
        } else {
        }
        %rem3A_749 = arith.constant 2 : i32
        %rem3A_750 = arith.remsi %add3A, %rem3A_749 : i32
        %mul3A_751 = arith.constant 100 : i32
        %mul3A_752 = arith.muli %rem3A_750, %mul3A_751 : i32
        %dma_start3A_753 = arith.constant 0 : i32
        %dma_start3A_754 = arith.constant 0 : i32
        %dma_start3A_755 = arith.constant 0 : i32
        %dma_start3A_756 = tpu.memref_slice %arg8[%dma_start3A_753, %dma_start3A_754, %dma_start3A_755] : memref<8x100x128xf32, #tpu.memory_space<vmem>> -> memref<1x100x128xf32, #tpu.memory_space<vmem>>
        %dma_start3A_757 = tpu.memref_squeeze %dma_start3A_756 : memref<1x100x128xf32, #tpu.memory_space<vmem>> -> memref<100x128xf32, #tpu.memory_space<vmem>>
        %dma_start3A_758 = arith.constant 0 : i32
        %dma_start3A_759 = tpu.memref_slice %arg7[%mul3A_752, %dma_start3A_758] : memref<200x128xf32, #tpu.memory_space<vmem_shared>> -> memref<100x128xf32, #tpu.memory_space<vmem_shared>>
        %dma_start3A_760 = arith.constant 0 : i32
        %dma_start3A_761 = arith.constant 0 : i32
        %dma_start3A_762 = tpu.memref_slice %arg8[%dma_start3A_753, %dma_start3A_760, %dma_start3A_761] : memref<8x100x128xf32, #tpu.memory_space<vmem>> -> memref<1x100x128xf32, #tpu.memory_space<vmem>>
        %dma_start3A_763 = tpu.memref_squeeze %dma_start3A_762 : memref<1x100x128xf32, #tpu.memory_space<vmem>> -> memref<100x128xf32, #tpu.memory_space<vmem>>
        %dma_start3A_764 = arith.constant 0 : i32
        %dma_start3A_765 = tpu.memref_slice %arg7[%mul3A_752, %dma_start3A_764] : memref<200x128xf32, #tpu.memory_space<vmem_shared>> -> memref<100x128xf32, #tpu.memory_space<vmem_shared>>
        tpu.enqueue_dma source(%dma_start3A_765 : memref<100x128xf32, #tpu.memory_space<vmem_shared>>) target(%dma_start3A_763 : memref<100x128xf32, #tpu.memory_space<vmem>>) target_semaphore(%arg25 : memref<!tpu.dma_semaphore, #tpu.memory_space<semaphore_mem>>)
      } else {
      }
      %add3A_503 = arith.constant 4 : i32
      %add3A_504 = arith.addi %add3A_466, %add3A_503 : i32
      %lt3A_505 = arith.constant 64 : i32
      %lt3A_506 = arith.cmpi slt, %add3A_504, %lt3A_505 : i32
      %convert_element_type3A_507 = arith.extui %lt3A_506 : i1 to i32
      %cond3A_508 = arith.constant 0 : i32
      %cond3A_509 = arith.cmpi ne, %convert_element_type3A_507, %cond3A_508 : i32
      scf.if %cond3A_509 {
        %rem3A_745 = arith.constant 2 : i32
        %rem3A_746 = arith.remsi %add3A, %rem3A_745 : i32
        %mul3A_747 = arith.constant 100 : i32
        %mul3A_748 = arith.muli %rem3A_746, %mul3A_747 : i32
        %dma_wait3A_749 = arith.constant 6 : i32
        %dma_wait3A_750 = arith.constant 0 : i32
        %dma_wait3A_751 = arith.constant 0 : i32
        %dma_wait3A_752 = tpu.memref_slice %arg8[%dma_wait3A_749, %dma_wait3A_750, %dma_wait3A_751] : memref<8x100x128xf32, #tpu.memory_space<vmem>> -> memref<1x100x128xf32, #tpu.memory_space<vmem>>
        %dma_wait3A_753 = tpu.memref_squeeze %dma_wait3A_752 : memref<1x100x128xf32, #tpu.memory_space<vmem>> -> memref<100x128xf32, #tpu.memory_space<vmem>>
        %dma_wait3A_754 = arith.constant 0 : i32
        %dma_wait3A_755 = tpu.memref_slice %arg7[%mul3A_748, %dma_wait3A_754] : memref<200x128xf32, #tpu.memory_space<vmem_shared>> -> memref<100x128xf32, #tpu.memory_space<vmem_shared>>
        %dma_wait3A_756 = arith.constant 0 : i32
        %dma_wait3A_757 = arith.constant 0 : i32
        %dma_wait3A_758 = tpu.memref_slice %arg8[%dma_wait3A_749, %dma_wait3A_756, %dma_wait3A_757] : memref<8x100x128xf32, #tpu.memory_space<vmem>> -> memref<1x100x128xf32, #tpu.memory_space<vmem>>
        %dma_wait3A_759 = tpu.memref_squeeze %dma_wait3A_758 : memref<1x100x128xf32, #tpu.memory_space<vmem>> -> memref<100x128xf32, #tpu.memory_space<vmem>>
        %dma_wait3A_760 = arith.constant 0 : i32
        %dma_wait3A_761 = tpu.memref_slice %arg7[%mul3A_748, %dma_wait3A_760] : memref<200x128xf32, #tpu.memory_space<vmem_shared>> -> memref<100x128xf32, #tpu.memory_space<vmem_shared>>
        tpu.wait_dma2 semaphore(%arg31 : memref<!tpu.dma_semaphore, #tpu.memory_space<semaphore_mem>>) src(%dma_wait3A_761 : memref<100x128xf32, #tpu.memory_space<vmem_shared>>) dst(%dma_wait3A_759 : memref<100x128xf32, #tpu.memory_space<vmem>>)
        %dma_start3A_762 = arith.constant 6 : i32
        %dma_start3A_763 = arith.constant 0 : i32
        %dma_start3A_764 = arith.constant 0 : i32
        %dma_start3A_765 = tpu.memref_slice %arg8[%dma_start3A_762, %dma_start3A_763, %dma_start3A_764] : memref<8x100x128xf32, #tpu.memory_space<vmem>> -> memref<1x100x128xf32, #tpu.memory_space<vmem>>
        %dma_start3A_766 = tpu.memref_squeeze %dma_start3A_765 : memref<1x100x128xf32, #tpu.memory_space<vmem>> -> memref<100x128xf32, #tpu.memory_space<vmem>>
        %dma_start3A_767 = arith.constant 0 : i32
        %dma_start3A_768 = tpu.memref_slice %arg6[%add3A_504, %dma_start3A_767] : memref<64x100xi32, #tpu.memory_space<vmem>> -> memref<1x100xi32, #tpu.memory_space<vmem>>
        %dma_start3A_769 = tpu.memref_squeeze %dma_start3A_768 : memref<1x100xi32, #tpu.memory_space<vmem>> -> memref<100xi32, #tpu.memory_space<vmem>>
        %dma_start3A_770 = arith.constant 0 : i32
        %dma_start3A_771 = arith.constant 0 : i32
        %dma_start3A_772 = tpu.memref_slice %arg3[%dma_start3A_770, %dma_start3A_771] : memref<100000x128xf32, #tpu.memory_space<hbm>> -> memref<100000x128xf32, #tpu.memory_space<hbm>>
        tpu.enqueue_indirect_dma source(%dma_start3A_772 : memref<100000x128xf32, #tpu.memory_space<hbm>>) target(%dma_start3A_766 : memref<100x128xf32, #tpu.memory_space<vmem>>) offsets(%dma_start3A_769 : memref<100xi32, #tpu.memory_space<vmem>>) semaphore(%arg15 : memref<!tpu.dma_semaphore, #tpu.memory_space<semaphore_mem>>) {add = true}
      } else {
      }
      %mul3A_510 = arith.constant 8 : i32
      %mul3A_511 = arith.muli %scan3A_369, %mul3A_510 : i32
      %add3A_512 = arith.constant 3 : i32
      %add3A_513 = arith.addi %mul3A_511, %add3A_512 : i32
      %dma_wait3A_514 = arith.constant 3 : i32
      %dma_wait3A_515 = arith.constant 0 : i32
      %dma_wait3A_516 = arith.constant 0 : i32
      %dma_wait3A_517 = tpu.memref_slice %arg8[%dma_wait3A_514, %dma_wait3A_515, %dma_wait3A_516] : memref<8x100x128xf32, #tpu.memory_space<vmem>> -> memref<1x100x128xf32, #tpu.memory_space<vmem>>
      %dma_wait3A_518 = tpu.memref_squeeze %dma_wait3A_517 : memref<1x100x128xf32, #tpu.memory_space<vmem>> -> memref<100x128xf32, #tpu.memory_space<vmem>>
      %dma_wait3A_519 = arith.constant 0 : i32
      %dma_wait3A_520 = tpu.memref_slice %arg6[%add3A_513, %dma_wait3A_519] : memref<64x100xi32, #tpu.memory_space<vmem>> -> memref<1x100xi32, #tpu.memory_space<vmem>>
      %dma_wait3A_521 = tpu.memref_squeeze %dma_wait3A_520 : memref<1x100xi32, #tpu.memory_space<vmem>> -> memref<100xi32, #tpu.memory_space<vmem>>
      %dma_wait3A_522 = arith.constant 0 : i32
      %dma_wait3A_523 = arith.constant 0 : i32
      %dma_wait3A_524 = tpu.memref_slice %arg3[%dma_wait3A_522, %dma_wait3A_523] : memref<100000x128xf32, #tpu.memory_space<hbm>> -> memref<100000x128xf32, #tpu.memory_space<hbm>>
      tpu.wait_indirect_dma semaphore(%arg12 : memref<!tpu.dma_semaphore, #tpu.memory_space<semaphore_mem>>) src(%dma_wait3A_524 : memref<100000x128xf32, #tpu.memory_space<hbm>>) dst(%dma_wait3A_518 : memref<100x128xf32, #tpu.memory_space<vmem>>)
      %mul3A_525 = arith.constant 32 : i32
      %mul3A_526 = arith.muli %add3A_513, %mul3A_525 : i32
      %add3A_527 = arith.addi %mul3A_526, %add3A : i32
      %mul3A_528 = arith.constant 100 : i32
      %mul3A_529 = arith.muli %add3A_527, %mul3A_528 : i32
      %dma_start3A_530 = arith.constant 3 : i32
      %dma_start3A_531 = arith.constant 0 : i32
      %dma_start3A_532 = arith.constant 0 : i32
      %dma_start3A_533 = tpu.memref_slice %arg8[%dma_start3A_530, %dma_start3A_531, %dma_start3A_532] : memref<8x100x128xf32, #tpu.memory_space<vmem>> -> memref<1x100x128xf32, #tpu.memory_space<vmem>>
      %dma_start3A_534 = tpu.memref_squeeze %dma_start3A_533 : memref<1x100x128xf32, #tpu.memory_space<vmem>> -> memref<100x128xf32, #tpu.memory_space<vmem>>
      %dma_start3A_535 = arith.constant 0 : i32
      %dma_start3A_536 = tpu.memref_slice %arg5[%mul3A_529, %dma_start3A_535] : memref<204800x128xf32, #tpu.memory_space<hbm>> -> memref<100x128xf32, #tpu.memory_space<hbm>>
      %dma_start3A_537 = arith.constant 0 : i32
      %dma_start3A_538 = tpu.memref_slice %arg5[%mul3A_529, %dma_start3A_537] : memref<204800x128xf32, #tpu.memory_space<hbm>> -> memref<100x128xf32, #tpu.memory_space<hbm>>
      %dma_start3A_539 = arith.constant 0 : i32
      %dma_start3A_540 = arith.constant 0 : i32
      %dma_start3A_541 = tpu.memref_slice %arg8[%dma_start3A_530, %dma_start3A_539, %dma_start3A_540] : memref<8x100x128xf32, #tpu.memory_space<vmem>> -> memref<1x100x128xf32, #tpu.memory_space<vmem>>
      %dma_start3A_542 = tpu.memref_squeeze %dma_start3A_541 : memref<1x100x128xf32, #tpu.memory_space<vmem>> -> memref<100x128xf32, #tpu.memory_space<vmem>>
      tpu.enqueue_dma source(%dma_start3A_542 : memref<100x128xf32, #tpu.memory_space<vmem>>) target(%dma_start3A_538 : memref<100x128xf32, #tpu.memory_space<hbm>>) target_semaphore(%arg20 : memref<!tpu.dma_semaphore, #tpu.memory_space<semaphore_mem>>)
      %add3A_543 = arith.constant 6 : i32
      %add3A_544 = arith.addi %add3A_513, %add3A_543 : i32
      %lt3A_545 = arith.constant 64 : i32
      %lt3A_546 = arith.cmpi slt, %add3A_544, %lt3A_545 : i32
      %convert_element_type3A_547 = arith.extui %lt3A_546 : i1 to i32
      %cond3A_548 = arith.constant 0 : i32
      %cond3A_549 = arith.cmpi ne, %convert_element_type3A_547, %cond3A_548 : i32
      scf.if %cond3A_549 {
        %ge3A = arith.constant 8 : i32
        %ge3A_745 = arith.cmpi sge, %add3A_544, %ge3A : i32
        %convert_element_type3A_746 = arith.extui %ge3A_745 : i1 to i32
        %cond3A_747 = arith.constant 0 : i32
        %cond3A_748 = arith.cmpi ne, %convert_element_type3A_746, %cond3A_747 : i32
        scf.if %cond3A_748 {
          %sub3A = arith.constant 8 : i32
          %sub3A_766 = arith.subi %add3A_544, %sub3A : i32
          %mul3A_767 = arith.constant 32 : i32
          %mul3A_768 = arith.muli %sub3A_766, %mul3A_767 : i32
          %add3A_769 = arith.addi %mul3A_768, %add3A : i32
          %mul3A_770 = arith.constant 100 : i32
          %mul3A_771 = arith.muli %add3A_769, %mul3A_770 : i32
          %dma_wait3A_772 = arith.constant 1 : i32
          %dma_wait3A_773 = arith.constant 0 : i32
          %dma_wait3A_774 = arith.constant 0 : i32
          %dma_wait3A_775 = tpu.memref_slice %arg8[%dma_wait3A_772, %dma_wait3A_773, %dma_wait3A_774] : memref<8x100x128xf32, #tpu.memory_space<vmem>> -> memref<1x100x128xf32, #tpu.memory_space<vmem>>
          %dma_wait3A_776 = tpu.memref_squeeze %dma_wait3A_775 : memref<1x100x128xf32, #tpu.memory_space<vmem>> -> memref<100x128xf32, #tpu.memory_space<vmem>>
          %dma_wait3A_777 = arith.constant 0 : i32
          %dma_wait3A_778 = tpu.memref_slice %arg5[%mul3A_771, %dma_wait3A_777] : memref<204800x128xf32, #tpu.memory_space<hbm>> -> memref<100x128xf32, #tpu.memory_space<hbm>>
          %dma_wait3A_779 = arith.constant 0 : i32
          %dma_wait3A_780 = tpu.memref_slice %arg5[%mul3A_771, %dma_wait3A_779] : memref<204800x128xf32, #tpu.memory_space<hbm>> -> memref<100x128xf32, #tpu.memory_space<hbm>>
          %dma_wait3A_781 = arith.constant 0 : i32
          %dma_wait3A_782 = arith.constant 0 : i32
          %dma_wait3A_783 = tpu.memref_slice %arg8[%dma_wait3A_772, %dma_wait3A_781, %dma_wait3A_782] : memref<8x100x128xf32, #tpu.memory_space<vmem>> -> memref<1x100x128xf32, #tpu.memory_space<vmem>>
          %dma_wait3A_784 = tpu.memref_squeeze %dma_wait3A_783 : memref<1x100x128xf32, #tpu.memory_space<vmem>> -> memref<100x128xf32, #tpu.memory_space<vmem>>
          tpu.wait_dma2 semaphore(%arg18 : memref<!tpu.dma_semaphore, #tpu.memory_space<semaphore_mem>>) src(%dma_wait3A_784 : memref<100x128xf32, #tpu.memory_space<vmem>>) dst(%dma_wait3A_780 : memref<100x128xf32, #tpu.memory_space<hbm>>)
        } else {
        }
        %rem3A_749 = arith.constant 2 : i32
        %rem3A_750 = arith.remsi %add3A, %rem3A_749 : i32
        %mul3A_751 = arith.constant 100 : i32
        %mul3A_752 = arith.muli %rem3A_750, %mul3A_751 : i32
        %dma_start3A_753 = arith.constant 1 : i32
        %dma_start3A_754 = arith.constant 0 : i32
        %dma_start3A_755 = arith.constant 0 : i32
        %dma_start3A_756 = tpu.memref_slice %arg8[%dma_start3A_753, %dma_start3A_754, %dma_start3A_755] : memref<8x100x128xf32, #tpu.memory_space<vmem>> -> memref<1x100x128xf32, #tpu.memory_space<vmem>>
        %dma_start3A_757 = tpu.memref_squeeze %dma_start3A_756 : memref<1x100x128xf32, #tpu.memory_space<vmem>> -> memref<100x128xf32, #tpu.memory_space<vmem>>
        %dma_start3A_758 = arith.constant 0 : i32
        %dma_start3A_759 = tpu.memref_slice %arg7[%mul3A_752, %dma_start3A_758] : memref<200x128xf32, #tpu.memory_space<vmem_shared>> -> memref<100x128xf32, #tpu.memory_space<vmem_shared>>
        %dma_start3A_760 = arith.constant 0 : i32
        %dma_start3A_761 = arith.constant 0 : i32
        %dma_start3A_762 = tpu.memref_slice %arg8[%dma_start3A_753, %dma_start3A_760, %dma_start3A_761] : memref<8x100x128xf32, #tpu.memory_space<vmem>> -> memref<1x100x128xf32, #tpu.memory_space<vmem>>
        %dma_start3A_763 = tpu.memref_squeeze %dma_start3A_762 : memref<1x100x128xf32, #tpu.memory_space<vmem>> -> memref<100x128xf32, #tpu.memory_space<vmem>>
        %dma_start3A_764 = arith.constant 0 : i32
        %dma_start3A_765 = tpu.memref_slice %arg7[%mul3A_752, %dma_start3A_764] : memref<200x128xf32, #tpu.memory_space<vmem_shared>> -> memref<100x128xf32, #tpu.memory_space<vmem_shared>>
        tpu.enqueue_dma source(%dma_start3A_765 : memref<100x128xf32, #tpu.memory_space<vmem_shared>>) target(%dma_start3A_763 : memref<100x128xf32, #tpu.memory_space<vmem>>) target_semaphore(%arg26 : memref<!tpu.dma_semaphore, #tpu.memory_space<semaphore_mem>>)
      } else {
      }
      %add3A_550 = arith.constant 4 : i32
      %add3A_551 = arith.addi %add3A_513, %add3A_550 : i32
      %lt3A_552 = arith.constant 64 : i32
      %lt3A_553 = arith.cmpi slt, %add3A_551, %lt3A_552 : i32
      %convert_element_type3A_554 = arith.extui %lt3A_553 : i1 to i32
      %cond3A_555 = arith.constant 0 : i32
      %cond3A_556 = arith.cmpi ne, %convert_element_type3A_554, %cond3A_555 : i32
      scf.if %cond3A_556 {
        %rem3A_745 = arith.constant 2 : i32
        %rem3A_746 = arith.remsi %add3A, %rem3A_745 : i32
        %mul3A_747 = arith.constant 100 : i32
        %mul3A_748 = arith.muli %rem3A_746, %mul3A_747 : i32
        %dma_wait3A_749 = arith.constant 7 : i32
        %dma_wait3A_750 = arith.constant 0 : i32
        %dma_wait3A_751 = arith.constant 0 : i32
        %dma_wait3A_752 = tpu.memref_slice %arg8[%dma_wait3A_749, %dma_wait3A_750, %dma_wait3A_751] : memref<8x100x128xf32, #tpu.memory_space<vmem>> -> memref<1x100x128xf32, #tpu.memory_space<vmem>>
        %dma_wait3A_753 = tpu.memref_squeeze %dma_wait3A_752 : memref<1x100x128xf32, #tpu.memory_space<vmem>> -> memref<100x128xf32, #tpu.memory_space<vmem>>
        %dma_wait3A_754 = arith.constant 0 : i32
        %dma_wait3A_755 = tpu.memref_slice %arg7[%mul3A_748, %dma_wait3A_754] : memref<200x128xf32, #tpu.memory_space<vmem_shared>> -> memref<100x128xf32, #tpu.memory_space<vmem_shared>>
        %dma_wait3A_756 = arith.constant 0 : i32
        %dma_wait3A_757 = arith.constant 0 : i32
        %dma_wait3A_758 = tpu.memref_slice %arg8[%dma_wait3A_749, %dma_wait3A_756, %dma_wait3A_757] : memref<8x100x128xf32, #tpu.memory_space<vmem>> -> memref<1x100x128xf32, #tpu.memory_space<vmem>>
        %dma_wait3A_759 = tpu.memref_squeeze %dma_wait3A_758 : memref<1x100x128xf32, #tpu.memory_space<vmem>> -> memref<100x128xf32, #tpu.memory_space<vmem>>
        %dma_wait3A_760 = arith.constant 0 : i32
        %dma_wait3A_761 = tpu.memref_slice %arg7[%mul3A_748, %dma_wait3A_760] : memref<200x128xf32, #tpu.memory_space<vmem_shared>> -> memref<100x128xf32, #tpu.memory_space<vmem_shared>>
        tpu.wait_dma2 semaphore(%arg32 : memref<!tpu.dma_semaphore, #tpu.memory_space<semaphore_mem>>) src(%dma_wait3A_761 : memref<100x128xf32, #tpu.memory_space<vmem_shared>>) dst(%dma_wait3A_759 : memref<100x128xf32, #tpu.memory_space<vmem>>)
        %dma_start3A_762 = arith.constant 7 : i32
        %dma_start3A_763 = arith.constant 0 : i32
        %dma_start3A_764 = arith.constant 0 : i32
        %dma_start3A_765 = tpu.memref_slice %arg8[%dma_start3A_762, %dma_start3A_763, %dma_start3A_764] : memref<8x100x128xf32, #tpu.memory_space<vmem>> -> memref<1x100x128xf32, #tpu.memory_space<vmem>>
        %dma_start3A_766 = tpu.memref_squeeze %dma_start3A_765 : memref<1x100x128xf32, #tpu.memory_space<vmem>> -> memref<100x128xf32, #tpu.memory_space<vmem>>
        %dma_start3A_767 = arith.constant 0 : i32
        %dma_start3A_768 = tpu.memref_slice %arg6[%add3A_551, %dma_start3A_767] : memref<64x100xi32, #tpu.memory_space<vmem>> -> memref<1x100xi32, #tpu.memory_space<vmem>>
        %dma_start3A_769 = tpu.memref_squeeze %dma_start3A_768 : memref<1x100xi32, #tpu.memory_space<vmem>> -> memref<100xi32, #tpu.memory_space<vmem>>
        %dma_start3A_770 = arith.constant 0 : i32
        %dma_start3A_771 = arith.constant 0 : i32
        %dma_start3A_772 = tpu.memref_slice %arg3[%dma_start3A_770, %dma_start3A_771] : memref<100000x128xf32, #tpu.memory_space<hbm>> -> memref<100000x128xf32, #tpu.memory_space<hbm>>
        tpu.enqueue_indirect_dma source(%dma_start3A_772 : memref<100000x128xf32, #tpu.memory_space<hbm>>) target(%dma_start3A_766 : memref<100x128xf32, #tpu.memory_space<vmem>>) offsets(%dma_start3A_769 : memref<100xi32, #tpu.memory_space<vmem>>) semaphore(%arg16 : memref<!tpu.dma_semaphore, #tpu.memory_space<semaphore_mem>>) {add = true}
      } else {
      }
      %mul3A_557 = arith.constant 8 : i32
      %mul3A_558 = arith.muli %scan3A_369, %mul3A_557 : i32
      %add3A_559 = arith.constant 4 : i32
      %add3A_560 = arith.addi %mul3A_558, %add3A_559 : i32
      %dma_wait3A_561 = arith.constant 4 : i32
      %dma_wait3A_562 = arith.constant 0 : i32
      %dma_wait3A_563 = arith.constant 0 : i32
      %dma_wait3A_564 = tpu.memref_slice %arg8[%dma_wait3A_561, %dma_wait3A_562, %dma_wait3A_563] : memref<8x100x128xf32, #tpu.memory_space<vmem>> -> memref<1x100x128xf32, #tpu.memory_space<vmem>>
      %dma_wait3A_565 = tpu.memref_squeeze %dma_wait3A_564 : memref<1x100x128xf32, #tpu.memory_space<vmem>> -> memref<100x128xf32, #tpu.memory_space<vmem>>
      %dma_wait3A_566 = arith.constant 0 : i32
      %dma_wait3A_567 = tpu.memref_slice %arg6[%add3A_560, %dma_wait3A_566] : memref<64x100xi32, #tpu.memory_space<vmem>> -> memref<1x100xi32, #tpu.memory_space<vmem>>
      %dma_wait3A_568 = tpu.memref_squeeze %dma_wait3A_567 : memref<1x100xi32, #tpu.memory_space<vmem>> -> memref<100xi32, #tpu.memory_space<vmem>>
      %dma_wait3A_569 = arith.constant 0 : i32
      %dma_wait3A_570 = arith.constant 0 : i32
      %dma_wait3A_571 = tpu.memref_slice %arg3[%dma_wait3A_569, %dma_wait3A_570] : memref<100000x128xf32, #tpu.memory_space<hbm>> -> memref<100000x128xf32, #tpu.memory_space<hbm>>
      tpu.wait_indirect_dma semaphore(%arg13 : memref<!tpu.dma_semaphore, #tpu.memory_space<semaphore_mem>>) src(%dma_wait3A_571 : memref<100000x128xf32, #tpu.memory_space<hbm>>) dst(%dma_wait3A_565 : memref<100x128xf32, #tpu.memory_space<vmem>>)
      %mul3A_572 = arith.constant 32 : i32
      %mul3A_573 = arith.muli %add3A_560, %mul3A_572 : i32
      %add3A_574 = arith.addi %mul3A_573, %add3A : i32
      %mul3A_575 = arith.constant 100 : i32
      %mul3A_576 = arith.muli %add3A_574, %mul3A_575 : i32
      %dma_start3A_577 = arith.constant 4 : i32
      %dma_start3A_578 = arith.constant 0 : i32
      %dma_start3A_579 = arith.constant 0 : i32
      %dma_start3A_580 = tpu.memref_slice %arg8[%dma_start3A_577, %dma_start3A_578, %dma_start3A_579] : memref<8x100x128xf32, #tpu.memory_space<vmem>> -> memref<1x100x128xf32, #tpu.memory_space<vmem>>
      %dma_start3A_581 = tpu.memref_squeeze %dma_start3A_580 : memref<1x100x128xf32, #tpu.memory_space<vmem>> -> memref<100x128xf32, #tpu.memory_space<vmem>>
      %dma_start3A_582 = arith.constant 0 : i32
      %dma_start3A_583 = tpu.memref_slice %arg5[%mul3A_576, %dma_start3A_582] : memref<204800x128xf32, #tpu.memory_space<hbm>> -> memref<100x128xf32, #tpu.memory_space<hbm>>
      %dma_start3A_584 = arith.constant 0 : i32
      %dma_start3A_585 = tpu.memref_slice %arg5[%mul3A_576, %dma_start3A_584] : memref<204800x128xf32, #tpu.memory_space<hbm>> -> memref<100x128xf32, #tpu.memory_space<hbm>>
      %dma_start3A_586 = arith.constant 0 : i32
      %dma_start3A_587 = arith.constant 0 : i32
      %dma_start3A_588 = tpu.memref_slice %arg8[%dma_start3A_577, %dma_start3A_586, %dma_start3A_587] : memref<8x100x128xf32, #tpu.memory_space<vmem>> -> memref<1x100x128xf32, #tpu.memory_space<vmem>>
      %dma_start3A_589 = tpu.memref_squeeze %dma_start3A_588 : memref<1x100x128xf32, #tpu.memory_space<vmem>> -> memref<100x128xf32, #tpu.memory_space<vmem>>
      tpu.enqueue_dma source(%dma_start3A_589 : memref<100x128xf32, #tpu.memory_space<vmem>>) target(%dma_start3A_585 : memref<100x128xf32, #tpu.memory_space<hbm>>) target_semaphore(%arg21 : memref<!tpu.dma_semaphore, #tpu.memory_space<semaphore_mem>>)
      %add3A_590 = arith.constant 6 : i32
      %add3A_591 = arith.addi %add3A_560, %add3A_590 : i32
      %lt3A_592 = arith.constant 64 : i32
      %lt3A_593 = arith.cmpi slt, %add3A_591, %lt3A_592 : i32
      %convert_element_type3A_594 = arith.extui %lt3A_593 : i1 to i32
      %cond3A_595 = arith.constant 0 : i32
      %cond3A_596 = arith.cmpi ne, %convert_element_type3A_594, %cond3A_595 : i32
      scf.if %cond3A_596 {
        %ge3A = arith.constant 8 : i32
        %ge3A_745 = arith.cmpi sge, %add3A_591, %ge3A : i32
        %convert_element_type3A_746 = arith.extui %ge3A_745 : i1 to i32
        %cond3A_747 = arith.constant 0 : i32
        %cond3A_748 = arith.cmpi ne, %convert_element_type3A_746, %cond3A_747 : i32
        scf.if %cond3A_748 {
          %sub3A = arith.constant 8 : i32
          %sub3A_766 = arith.subi %add3A_591, %sub3A : i32
          %mul3A_767 = arith.constant 32 : i32
          %mul3A_768 = arith.muli %sub3A_766, %mul3A_767 : i32
          %add3A_769 = arith.addi %mul3A_768, %add3A : i32
          %mul3A_770 = arith.constant 100 : i32
          %mul3A_771 = arith.muli %add3A_769, %mul3A_770 : i32
          %dma_wait3A_772 = arith.constant 2 : i32
          %dma_wait3A_773 = arith.constant 0 : i32
          %dma_wait3A_774 = arith.constant 0 : i32
          %dma_wait3A_775 = tpu.memref_slice %arg8[%dma_wait3A_772, %dma_wait3A_773, %dma_wait3A_774] : memref<8x100x128xf32, #tpu.memory_space<vmem>> -> memref<1x100x128xf32, #tpu.memory_space<vmem>>
          %dma_wait3A_776 = tpu.memref_squeeze %dma_wait3A_775 : memref<1x100x128xf32, #tpu.memory_space<vmem>> -> memref<100x128xf32, #tpu.memory_space<vmem>>
          %dma_wait3A_777 = arith.constant 0 : i32
          %dma_wait3A_778 = tpu.memref_slice %arg5[%mul3A_771, %dma_wait3A_777] : memref<204800x128xf32, #tpu.memory_space<hbm>> -> memref<100x128xf32, #tpu.memory_space<hbm>>
          %dma_wait3A_779 = arith.constant 0 : i32
          %dma_wait3A_780 = tpu.memref_slice %arg5[%mul3A_771, %dma_wait3A_779] : memref<204800x128xf32, #tpu.memory_space<hbm>> -> memref<100x128xf32, #tpu.memory_space<hbm>>
          %dma_wait3A_781 = arith.constant 0 : i32
          %dma_wait3A_782 = arith.constant 0 : i32
          %dma_wait3A_783 = tpu.memref_slice %arg8[%dma_wait3A_772, %dma_wait3A_781, %dma_wait3A_782] : memref<8x100x128xf32, #tpu.memory_space<vmem>> -> memref<1x100x128xf32, #tpu.memory_space<vmem>>
          %dma_wait3A_784 = tpu.memref_squeeze %dma_wait3A_783 : memref<1x100x128xf32, #tpu.memory_space<vmem>> -> memref<100x128xf32, #tpu.memory_space<vmem>>
          tpu.wait_dma2 semaphore(%arg19 : memref<!tpu.dma_semaphore, #tpu.memory_space<semaphore_mem>>) src(%dma_wait3A_784 : memref<100x128xf32, #tpu.memory_space<vmem>>) dst(%dma_wait3A_780 : memref<100x128xf32, #tpu.memory_space<hbm>>)
        } else {
        }
        %rem3A_749 = arith.constant 2 : i32
        %rem3A_750 = arith.remsi %add3A, %rem3A_749 : i32
        %mul3A_751 = arith.constant 100 : i32
        %mul3A_752 = arith.muli %rem3A_750, %mul3A_751 : i32
        %dma_start3A_753 = arith.constant 2 : i32
        %dma_start3A_754 = arith.constant 0 : i32
        %dma_start3A_755 = arith.constant 0 : i32
        %dma_start3A_756 = tpu.memref_slice %arg8[%dma_start3A_753, %dma_start3A_754, %dma_start3A_755] : memref<8x100x128xf32, #tpu.memory_space<vmem>> -> memref<1x100x128xf32, #tpu.memory_space<vmem>>
        %dma_start3A_757 = tpu.memref_squeeze %dma_start3A_756 : memref<1x100x128xf32, #tpu.memory_space<vmem>> -> memref<100x128xf32, #tpu.memory_space<vmem>>
        %dma_start3A_758 = arith.constant 0 : i32
        %dma_start3A_759 = tpu.memref_slice %arg7[%mul3A_752, %dma_start3A_758] : memref<200x128xf32, #tpu.memory_space<vmem_shared>> -> memref<100x128xf32, #tpu.memory_space<vmem_shared>>
        %dma_start3A_760 = arith.constant 0 : i32
        %dma_start3A_761 = arith.constant 0 : i32
        %dma_start3A_762 = tpu.memref_slice %arg8[%dma_start3A_753, %dma_start3A_760, %dma_start3A_761] : memref<8x100x128xf32, #tpu.memory_space<vmem>> -> memref<1x100x128xf32, #tpu.memory_space<vmem>>
        %dma_start3A_763 = tpu.memref_squeeze %dma_start3A_762 : memref<1x100x128xf32, #tpu.memory_space<vmem>> -> memref<100x128xf32, #tpu.memory_space<vmem>>
        %dma_start3A_764 = arith.constant 0 : i32
        %dma_start3A_765 = tpu.memref_slice %arg7[%mul3A_752, %dma_start3A_764] : memref<200x128xf32, #tpu.memory_space<vmem_shared>> -> memref<100x128xf32, #tpu.memory_space<vmem_shared>>
        tpu.enqueue_dma source(%dma_start3A_765 : memref<100x128xf32, #tpu.memory_space<vmem_shared>>) target(%dma_start3A_763 : memref<100x128xf32, #tpu.memory_space<vmem>>) target_semaphore(%arg27 : memref<!tpu.dma_semaphore, #tpu.memory_space<semaphore_mem>>)
      } else {
      }
      %add3A_597 = arith.constant 4 : i32
      %add3A_598 = arith.addi %add3A_560, %add3A_597 : i32
      %lt3A_599 = arith.constant 64 : i32
      %lt3A_600 = arith.cmpi slt, %add3A_598, %lt3A_599 : i32
      %convert_element_type3A_601 = arith.extui %lt3A_600 : i1 to i32
      %cond3A_602 = arith.constant 0 : i32
      %cond3A_603 = arith.cmpi ne, %convert_element_type3A_601, %cond3A_602 : i32
      scf.if %cond3A_603 {
        %rem3A_745 = arith.constant 2 : i32
        %rem3A_746 = arith.remsi %add3A, %rem3A_745 : i32
        %mul3A_747 = arith.constant 100 : i32
        %mul3A_748 = arith.muli %rem3A_746, %mul3A_747 : i32
        %dma_wait3A_749 = arith.constant 0 : i32
        %dma_wait3A_750 = arith.constant 0 : i32
        %dma_wait3A_751 = arith.constant 0 : i32
        %dma_wait3A_752 = tpu.memref_slice %arg8[%dma_wait3A_749, %dma_wait3A_750, %dma_wait3A_751] : memref<8x100x128xf32, #tpu.memory_space<vmem>> -> memref<1x100x128xf32, #tpu.memory_space<vmem>>
        %dma_wait3A_753 = tpu.memref_squeeze %dma_wait3A_752 : memref<1x100x128xf32, #tpu.memory_space<vmem>> -> memref<100x128xf32, #tpu.memory_space<vmem>>
        %dma_wait3A_754 = arith.constant 0 : i32
        %dma_wait3A_755 = tpu.memref_slice %arg7[%mul3A_748, %dma_wait3A_754] : memref<200x128xf32, #tpu.memory_space<vmem_shared>> -> memref<100x128xf32, #tpu.memory_space<vmem_shared>>
        %dma_wait3A_756 = arith.constant 0 : i32
        %dma_wait3A_757 = arith.constant 0 : i32
        %dma_wait3A_758 = tpu.memref_slice %arg8[%dma_wait3A_749, %dma_wait3A_756, %dma_wait3A_757] : memref<8x100x128xf32, #tpu.memory_space<vmem>> -> memref<1x100x128xf32, #tpu.memory_space<vmem>>
        %dma_wait3A_759 = tpu.memref_squeeze %dma_wait3A_758 : memref<1x100x128xf32, #tpu.memory_space<vmem>> -> memref<100x128xf32, #tpu.memory_space<vmem>>
        %dma_wait3A_760 = arith.constant 0 : i32
        %dma_wait3A_761 = tpu.memref_slice %arg7[%mul3A_748, %dma_wait3A_760] : memref<200x128xf32, #tpu.memory_space<vmem_shared>> -> memref<100x128xf32, #tpu.memory_space<vmem_shared>>
        tpu.wait_dma2 semaphore(%arg25 : memref<!tpu.dma_semaphore, #tpu.memory_space<semaphore_mem>>) src(%dma_wait3A_761 : memref<100x128xf32, #tpu.memory_space<vmem_shared>>) dst(%dma_wait3A_759 : memref<100x128xf32, #tpu.memory_space<vmem>>)
        %dma_start3A_762 = arith.constant 0 : i32
        %dma_start3A_763 = arith.constant 0 : i32
        %dma_start3A_764 = arith.constant 0 : i32
        %dma_start3A_765 = tpu.memref_slice %arg8[%dma_start3A_762, %dma_start3A_763, %dma_start3A_764] : memref<8x100x128xf32, #tpu.memory_space<vmem>> -> memref<1x100x128xf32, #tpu.memory_space<vmem>>
        %dma_start3A_766 = tpu.memref_squeeze %dma_start3A_765 : memref<1x100x128xf32, #tpu.memory_space<vmem>> -> memref<100x128xf32, #tpu.memory_space<vmem>>
        %dma_start3A_767 = arith.constant 0 : i32
        %dma_start3A_768 = tpu.memref_slice %arg6[%add3A_598, %dma_start3A_767] : memref<64x100xi32, #tpu.memory_space<vmem>> -> memref<1x100xi32, #tpu.memory_space<vmem>>
        %dma_start3A_769 = tpu.memref_squeeze %dma_start3A_768 : memref<1x100xi32, #tpu.memory_space<vmem>> -> memref<100xi32, #tpu.memory_space<vmem>>
        %dma_start3A_770 = arith.constant 0 : i32
        %dma_start3A_771 = arith.constant 0 : i32
        %dma_start3A_772 = tpu.memref_slice %arg3[%dma_start3A_770, %dma_start3A_771] : memref<100000x128xf32, #tpu.memory_space<hbm>> -> memref<100000x128xf32, #tpu.memory_space<hbm>>
        tpu.enqueue_indirect_dma source(%dma_start3A_772 : memref<100000x128xf32, #tpu.memory_space<hbm>>) target(%dma_start3A_766 : memref<100x128xf32, #tpu.memory_space<vmem>>) offsets(%dma_start3A_769 : memref<100xi32, #tpu.memory_space<vmem>>) semaphore(%arg9 : memref<!tpu.dma_semaphore, #tpu.memory_space<semaphore_mem>>) {add = true}
      } else {
      }
      %mul3A_604 = arith.constant 8 : i32
      %mul3A_605 = arith.muli %scan3A_369, %mul3A_604 : i32
      %add3A_606 = arith.constant 5 : i32
      %add3A_607 = arith.addi %mul3A_605, %add3A_606 : i32
      %dma_wait3A_608 = arith.constant 5 : i32
      %dma_wait3A_609 = arith.constant 0 : i32
      %dma_wait3A_610 = arith.constant 0 : i32
      %dma_wait3A_611 = tpu.memref_slice %arg8[%dma_wait3A_608, %dma_wait3A_609, %dma_wait3A_610] : memref<8x100x128xf32, #tpu.memory_space<vmem>> -> memref<1x100x128xf32, #tpu.memory_space<vmem>>
      %dma_wait3A_612 = tpu.memref_squeeze %dma_wait3A_611 : memref<1x100x128xf32, #tpu.memory_space<vmem>> -> memref<100x128xf32, #tpu.memory_space<vmem>>
      %dma_wait3A_613 = arith.constant 0 : i32
      %dma_wait3A_614 = tpu.memref_slice %arg6[%add3A_607, %dma_wait3A_613] : memref<64x100xi32, #tpu.memory_space<vmem>> -> memref<1x100xi32, #tpu.memory_space<vmem>>
      %dma_wait3A_615 = tpu.memref_squeeze %dma_wait3A_614 : memref<1x100xi32, #tpu.memory_space<vmem>> -> memref<100xi32, #tpu.memory_space<vmem>>
      %dma_wait3A_616 = arith.constant 0 : i32
      %dma_wait3A_617 = arith.constant 0 : i32
      %dma_wait3A_618 = tpu.memref_slice %arg3[%dma_wait3A_616, %dma_wait3A_617] : memref<100000x128xf32, #tpu.memory_space<hbm>> -> memref<100000x128xf32, #tpu.memory_space<hbm>>
      tpu.wait_indirect_dma semaphore(%arg14 : memref<!tpu.dma_semaphore, #tpu.memory_space<semaphore_mem>>) src(%dma_wait3A_618 : memref<100000x128xf32, #tpu.memory_space<hbm>>) dst(%dma_wait3A_612 : memref<100x128xf32, #tpu.memory_space<vmem>>)
      %mul3A_619 = arith.constant 32 : i32
      %mul3A_620 = arith.muli %add3A_607, %mul3A_619 : i32
      %add3A_621 = arith.addi %mul3A_620, %add3A : i32
      %mul3A_622 = arith.constant 100 : i32
      %mul3A_623 = arith.muli %add3A_621, %mul3A_622 : i32
      %dma_start3A_624 = arith.constant 5 : i32
      %dma_start3A_625 = arith.constant 0 : i32
      %dma_start3A_626 = arith.constant 0 : i32
      %dma_start3A_627 = tpu.memref_slice %arg8[%dma_start3A_624, %dma_start3A_625, %dma_start3A_626] : memref<8x100x128xf32, #tpu.memory_space<vmem>> -> memref<1x100x128xf32, #tpu.memory_space<vmem>>
      %dma_start3A_628 = tpu.memref_squeeze %dma_start3A_627 : memref<1x100x128xf32, #tpu.memory_space<vmem>> -> memref<100x128xf32, #tpu.memory_space<vmem>>
      %dma_start3A_629 = arith.constant 0 : i32
      %dma_start3A_630 = tpu.memref_slice %arg5[%mul3A_623, %dma_start3A_629] : memref<204800x128xf32, #tpu.memory_space<hbm>> -> memref<100x128xf32, #tpu.memory_space<hbm>>
      %dma_start3A_631 = arith.constant 0 : i32
      %dma_start3A_632 = tpu.memref_slice %arg5[%mul3A_623, %dma_start3A_631] : memref<204800x128xf32, #tpu.memory_space<hbm>> -> memref<100x128xf32, #tpu.memory_space<hbm>>
      %dma_start3A_633 = arith.constant 0 : i32
      %dma_start3A_634 = arith.constant 0 : i32
      %dma_start3A_635 = tpu.memref_slice %arg8[%dma_start3A_624, %dma_start3A_633, %dma_start3A_634] : memref<8x100x128xf32, #tpu.memory_space<vmem>> -> memref<1x100x128xf32, #tpu.memory_space<vmem>>
      %dma_start3A_636 = tpu.memref_squeeze %dma_start3A_635 : memref<1x100x128xf32, #tpu.memory_space<vmem>> -> memref<100x128xf32, #tpu.memory_space<vmem>>
      tpu.enqueue_dma source(%dma_start3A_636 : memref<100x128xf32, #tpu.memory_space<vmem>>) target(%dma_start3A_632 : memref<100x128xf32, #tpu.memory_space<hbm>>) target_semaphore(%arg22 : memref<!tpu.dma_semaphore, #tpu.memory_space<semaphore_mem>>)
      %add3A_637 = arith.constant 6 : i32
      %add3A_638 = arith.addi %add3A_607, %add3A_637 : i32
      %lt3A_639 = arith.constant 64 : i32
      %lt3A_640 = arith.cmpi slt, %add3A_638, %lt3A_639 : i32
      %convert_element_type3A_641 = arith.extui %lt3A_640 : i1 to i32
      %cond3A_642 = arith.constant 0 : i32
      %cond3A_643 = arith.cmpi ne, %convert_element_type3A_641, %cond3A_642 : i32
      scf.if %cond3A_643 {
        %ge3A = arith.constant 8 : i32
        %ge3A_745 = arith.cmpi sge, %add3A_638, %ge3A : i32
        %convert_element_type3A_746 = arith.extui %ge3A_745 : i1 to i32
        %cond3A_747 = arith.constant 0 : i32
        %cond3A_748 = arith.cmpi ne, %convert_element_type3A_746, %cond3A_747 : i32
        scf.if %cond3A_748 {
          %sub3A = arith.constant 8 : i32
          %sub3A_766 = arith.subi %add3A_638, %sub3A : i32
          %mul3A_767 = arith.constant 32 : i32
          %mul3A_768 = arith.muli %sub3A_766, %mul3A_767 : i32
          %add3A_769 = arith.addi %mul3A_768, %add3A : i32
          %mul3A_770 = arith.constant 100 : i32
          %mul3A_771 = arith.muli %add3A_769, %mul3A_770 : i32
          %dma_wait3A_772 = arith.constant 3 : i32
          %dma_wait3A_773 = arith.constant 0 : i32
          %dma_wait3A_774 = arith.constant 0 : i32
          %dma_wait3A_775 = tpu.memref_slice %arg8[%dma_wait3A_772, %dma_wait3A_773, %dma_wait3A_774] : memref<8x100x128xf32, #tpu.memory_space<vmem>> -> memref<1x100x128xf32, #tpu.memory_space<vmem>>
          %dma_wait3A_776 = tpu.memref_squeeze %dma_wait3A_775 : memref<1x100x128xf32, #tpu.memory_space<vmem>> -> memref<100x128xf32, #tpu.memory_space<vmem>>
          %dma_wait3A_777 = arith.constant 0 : i32
          %dma_wait3A_778 = tpu.memref_slice %arg5[%mul3A_771, %dma_wait3A_777] : memref<204800x128xf32, #tpu.memory_space<hbm>> -> memref<100x128xf32, #tpu.memory_space<hbm>>
          %dma_wait3A_779 = arith.constant 0 : i32
          %dma_wait3A_780 = tpu.memref_slice %arg5[%mul3A_771, %dma_wait3A_779] : memref<204800x128xf32, #tpu.memory_space<hbm>> -> memref<100x128xf32, #tpu.memory_space<hbm>>
          %dma_wait3A_781 = arith.constant 0 : i32
          %dma_wait3A_782 = arith.constant 0 : i32
          %dma_wait3A_783 = tpu.memref_slice %arg8[%dma_wait3A_772, %dma_wait3A_781, %dma_wait3A_782] : memref<8x100x128xf32, #tpu.memory_space<vmem>> -> memref<1x100x128xf32, #tpu.memory_space<vmem>>
          %dma_wait3A_784 = tpu.memref_squeeze %dma_wait3A_783 : memref<1x100x128xf32, #tpu.memory_space<vmem>> -> memref<100x128xf32, #tpu.memory_space<vmem>>
          tpu.wait_dma2 semaphore(%arg20 : memref<!tpu.dma_semaphore, #tpu.memory_space<semaphore_mem>>) src(%dma_wait3A_784 : memref<100x128xf32, #tpu.memory_space<vmem>>) dst(%dma_wait3A_780 : memref<100x128xf32, #tpu.memory_space<hbm>>)
        } else {
        }
        %rem3A_749 = arith.constant 2 : i32
        %rem3A_750 = arith.remsi %add3A, %rem3A_749 : i32
        %mul3A_751 = arith.constant 100 : i32
        %mul3A_752 = arith.muli %rem3A_750, %mul3A_751 : i32
        %dma_start3A_753 = arith.constant 3 : i32
        %dma_start3A_754 = arith.constant 0 : i32
        %dma_start3A_755 = arith.constant 0 : i32
        %dma_start3A_756 = tpu.memref_slice %arg8[%dma_start3A_753, %dma_start3A_754, %dma_start3A_755] : memref<8x100x128xf32, #tpu.memory_space<vmem>> -> memref<1x100x128xf32, #tpu.memory_space<vmem>>
        %dma_start3A_757 = tpu.memref_squeeze %dma_start3A_756 : memref<1x100x128xf32, #tpu.memory_space<vmem>> -> memref<100x128xf32, #tpu.memory_space<vmem>>
        %dma_start3A_758 = arith.constant 0 : i32
        %dma_start3A_759 = tpu.memref_slice %arg7[%mul3A_752, %dma_start3A_758] : memref<200x128xf32, #tpu.memory_space<vmem_shared>> -> memref<100x128xf32, #tpu.memory_space<vmem_shared>>
        %dma_start3A_760 = arith.constant 0 : i32
        %dma_start3A_761 = arith.constant 0 : i32
        %dma_start3A_762 = tpu.memref_slice %arg8[%dma_start3A_753, %dma_start3A_760, %dma_start3A_761] : memref<8x100x128xf32, #tpu.memory_space<vmem>> -> memref<1x100x128xf32, #tpu.memory_space<vmem>>
        %dma_start3A_763 = tpu.memref_squeeze %dma_start3A_762 : memref<1x100x128xf32, #tpu.memory_space<vmem>> -> memref<100x128xf32, #tpu.memory_space<vmem>>
        %dma_start3A_764 = arith.constant 0 : i32
        %dma_start3A_765 = tpu.memref_slice %arg7[%mul3A_752, %dma_start3A_764] : memref<200x128xf32, #tpu.memory_space<vmem_shared>> -> memref<100x128xf32, #tpu.memory_space<vmem_shared>>
        tpu.enqueue_dma source(%dma_start3A_765 : memref<100x128xf32, #tpu.memory_space<vmem_shared>>) target(%dma_start3A_763 : memref<100x128xf32, #tpu.memory_space<vmem>>) target_semaphore(%arg28 : memref<!tpu.dma_semaphore, #tpu.memory_space<semaphore_mem>>)
      } else {
      }
      %add3A_644 = arith.constant 4 : i32
      %add3A_645 = arith.addi %add3A_607, %add3A_644 : i32
      %lt3A_646 = arith.constant 64 : i32
      %lt3A_647 = arith.cmpi slt, %add3A_645, %lt3A_646 : i32
      %convert_element_type3A_648 = arith.extui %lt3A_647 : i1 to i32
      %cond3A_649 = arith.constant 0 : i32
      %cond3A_650 = arith.cmpi ne, %convert_element_type3A_648, %cond3A_649 : i32
      scf.if %cond3A_650 {
        %rem3A_745 = arith.constant 2 : i32
        %rem3A_746 = arith.remsi %add3A, %rem3A_745 : i32
        %mul3A_747 = arith.constant 100 : i32
        %mul3A_748 = arith.muli %rem3A_746, %mul3A_747 : i32
        %dma_wait3A_749 = arith.constant 1 : i32
        %dma_wait3A_750 = arith.constant 0 : i32
        %dma_wait3A_751 = arith.constant 0 : i32
        %dma_wait3A_752 = tpu.memref_slice %arg8[%dma_wait3A_749, %dma_wait3A_750, %dma_wait3A_751] : memref<8x100x128xf32, #tpu.memory_space<vmem>> -> memref<1x100x128xf32, #tpu.memory_space<vmem>>
        %dma_wait3A_753 = tpu.memref_squeeze %dma_wait3A_752 : memref<1x100x128xf32, #tpu.memory_space<vmem>> -> memref<100x128xf32, #tpu.memory_space<vmem>>
        %dma_wait3A_754 = arith.constant 0 : i32
        %dma_wait3A_755 = tpu.memref_slice %arg7[%mul3A_748, %dma_wait3A_754] : memref<200x128xf32, #tpu.memory_space<vmem_shared>> -> memref<100x128xf32, #tpu.memory_space<vmem_shared>>
        %dma_wait3A_756 = arith.constant 0 : i32
        %dma_wait3A_757 = arith.constant 0 : i32
        %dma_wait3A_758 = tpu.memref_slice %arg8[%dma_wait3A_749, %dma_wait3A_756, %dma_wait3A_757] : memref<8x100x128xf32, #tpu.memory_space<vmem>> -> memref<1x100x128xf32, #tpu.memory_space<vmem>>
        %dma_wait3A_759 = tpu.memref_squeeze %dma_wait3A_758 : memref<1x100x128xf32, #tpu.memory_space<vmem>> -> memref<100x128xf32, #tpu.memory_space<vmem>>
        %dma_wait3A_760 = arith.constant 0 : i32
        %dma_wait3A_761 = tpu.memref_slice %arg7[%mul3A_748, %dma_wait3A_760] : memref<200x128xf32, #tpu.memory_space<vmem_shared>> -> memref<100x128xf32, #tpu.memory_space<vmem_shared>>
        tpu.wait_dma2 semaphore(%arg26 : memref<!tpu.dma_semaphore, #tpu.memory_space<semaphore_mem>>) src(%dma_wait3A_761 : memref<100x128xf32, #tpu.memory_space<vmem_shared>>) dst(%dma_wait3A_759 : memref<100x128xf32, #tpu.memory_space<vmem>>)
        %dma_start3A_762 = arith.constant 1 : i32
        %dma_start3A_763 = arith.constant 0 : i32
        %dma_start3A_764 = arith.constant 0 : i32
        %dma_start3A_765 = tpu.memref_slice %arg8[%dma_start3A_762, %dma_start3A_763, %dma_start3A_764] : memref<8x100x128xf32, #tpu.memory_space<vmem>> -> memref<1x100x128xf32, #tpu.memory_space<vmem>>
        %dma_start3A_766 = tpu.memref_squeeze %dma_start3A_765 : memref<1x100x128xf32, #tpu.memory_space<vmem>> -> memref<100x128xf32, #tpu.memory_space<vmem>>
        %dma_start3A_767 = arith.constant 0 : i32
        %dma_start3A_768 = tpu.memref_slice %arg6[%add3A_645, %dma_start3A_767] : memref<64x100xi32, #tpu.memory_space<vmem>> -> memref<1x100xi32, #tpu.memory_space<vmem>>
        %dma_start3A_769 = tpu.memref_squeeze %dma_start3A_768 : memref<1x100xi32, #tpu.memory_space<vmem>> -> memref<100xi32, #tpu.memory_space<vmem>>
        %dma_start3A_770 = arith.constant 0 : i32
        %dma_start3A_771 = arith.constant 0 : i32
        %dma_start3A_772 = tpu.memref_slice %arg3[%dma_start3A_770, %dma_start3A_771] : memref<100000x128xf32, #tpu.memory_space<hbm>> -> memref<100000x128xf32, #tpu.memory_space<hbm>>
        tpu.enqueue_indirect_dma source(%dma_start3A_772 : memref<100000x128xf32, #tpu.memory_space<hbm>>) target(%dma_start3A_766 : memref<100x128xf32, #tpu.memory_space<vmem>>) offsets(%dma_start3A_769 : memref<100xi32, #tpu.memory_space<vmem>>) semaphore(%arg10 : memref<!tpu.dma_semaphore, #tpu.memory_space<semaphore_mem>>) {add = true}
      } else {
      }
      %mul3A_651 = arith.constant 8 : i32
      %mul3A_652 = arith.muli %scan3A_369, %mul3A_651 : i32
      %add3A_653 = arith.constant 6 : i32
      %add3A_654 = arith.addi %mul3A_652, %add3A_653 : i32
      %dma_wait3A_655 = arith.constant 6 : i32
      %dma_wait3A_656 = arith.constant 0 : i32
      %dma_wait3A_657 = arith.constant 0 : i32
      %dma_wait3A_658 = tpu.memref_slice %arg8[%dma_wait3A_655, %dma_wait3A_656, %dma_wait3A_657] : memref<8x100x128xf32, #tpu.memory_space<vmem>> -> memref<1x100x128xf32, #tpu.memory_space<vmem>>
      %dma_wait3A_659 = tpu.memref_squeeze %dma_wait3A_658 : memref<1x100x128xf32, #tpu.memory_space<vmem>> -> memref<100x128xf32, #tpu.memory_space<vmem>>
      %dma_wait3A_660 = arith.constant 0 : i32
      %dma_wait3A_661 = tpu.memref_slice %arg6[%add3A_654, %dma_wait3A_660] : memref<64x100xi32, #tpu.memory_space<vmem>> -> memref<1x100xi32, #tpu.memory_space<vmem>>
      %dma_wait3A_662 = tpu.memref_squeeze %dma_wait3A_661 : memref<1x100xi32, #tpu.memory_space<vmem>> -> memref<100xi32, #tpu.memory_space<vmem>>
      %dma_wait3A_663 = arith.constant 0 : i32
      %dma_wait3A_664 = arith.constant 0 : i32
      %dma_wait3A_665 = tpu.memref_slice %arg3[%dma_wait3A_663, %dma_wait3A_664] : memref<100000x128xf32, #tpu.memory_space<hbm>> -> memref<100000x128xf32, #tpu.memory_space<hbm>>
      tpu.wait_indirect_dma semaphore(%arg15 : memref<!tpu.dma_semaphore, #tpu.memory_space<semaphore_mem>>) src(%dma_wait3A_665 : memref<100000x128xf32, #tpu.memory_space<hbm>>) dst(%dma_wait3A_659 : memref<100x128xf32, #tpu.memory_space<vmem>>)
      %mul3A_666 = arith.constant 32 : i32
      %mul3A_667 = arith.muli %add3A_654, %mul3A_666 : i32
      %add3A_668 = arith.addi %mul3A_667, %add3A : i32
      %mul3A_669 = arith.constant 100 : i32
      %mul3A_670 = arith.muli %add3A_668, %mul3A_669 : i32
      %dma_start3A_671 = arith.constant 6 : i32
      %dma_start3A_672 = arith.constant 0 : i32
      %dma_start3A_673 = arith.constant 0 : i32
      %dma_start3A_674 = tpu.memref_slice %arg8[%dma_start3A_671, %dma_start3A_672, %dma_start3A_673] : memref<8x100x128xf32, #tpu.memory_space<vmem>> -> memref<1x100x128xf32, #tpu.memory_space<vmem>>
      %dma_start3A_675 = tpu.memref_squeeze %dma_start3A_674 : memref<1x100x128xf32, #tpu.memory_space<vmem>> -> memref<100x128xf32, #tpu.memory_space<vmem>>
      %dma_start3A_676 = arith.constant 0 : i32
      %dma_start3A_677 = tpu.memref_slice %arg5[%mul3A_670, %dma_start3A_676] : memref<204800x128xf32, #tpu.memory_space<hbm>> -> memref<100x128xf32, #tpu.memory_space<hbm>>
      %dma_start3A_678 = arith.constant 0 : i32
      %dma_start3A_679 = tpu.memref_slice %arg5[%mul3A_670, %dma_start3A_678] : memref<204800x128xf32, #tpu.memory_space<hbm>> -> memref<100x128xf32, #tpu.memory_space<hbm>>
      %dma_start3A_680 = arith.constant 0 : i32
      %dma_start3A_681 = arith.constant 0 : i32
      %dma_start3A_682 = tpu.memref_slice %arg8[%dma_start3A_671, %dma_start3A_680, %dma_start3A_681] : memref<8x100x128xf32, #tpu.memory_space<vmem>> -> memref<1x100x128xf32, #tpu.memory_space<vmem>>
      %dma_start3A_683 = tpu.memref_squeeze %dma_start3A_682 : memref<1x100x128xf32, #tpu.memory_space<vmem>> -> memref<100x128xf32, #tpu.memory_space<vmem>>
      tpu.enqueue_dma source(%dma_start3A_683 : memref<100x128xf32, #tpu.memory_space<vmem>>) target(%dma_start3A_679 : memref<100x128xf32, #tpu.memory_space<hbm>>) target_semaphore(%arg23 : memref<!tpu.dma_semaphore, #tpu.memory_space<semaphore_mem>>)
      %add3A_684 = arith.constant 6 : i32
      %add3A_685 = arith.addi %add3A_654, %add3A_684 : i32
      %lt3A_686 = arith.constant 64 : i32
      %lt3A_687 = arith.cmpi slt, %add3A_685, %lt3A_686 : i32
      %convert_element_type3A_688 = arith.extui %lt3A_687 : i1 to i32
      %cond3A_689 = arith.constant 0 : i32
      %cond3A_690 = arith.cmpi ne, %convert_element_type3A_688, %cond3A_689 : i32
      scf.if %cond3A_690 {
        %ge3A = arith.constant 8 : i32
        %ge3A_745 = arith.cmpi sge, %add3A_685, %ge3A : i32
        %convert_element_type3A_746 = arith.extui %ge3A_745 : i1 to i32
        %cond3A_747 = arith.constant 0 : i32
        %cond3A_748 = arith.cmpi ne, %convert_element_type3A_746, %cond3A_747 : i32
        scf.if %cond3A_748 {
          %sub3A = arith.constant 8 : i32
          %sub3A_766 = arith.subi %add3A_685, %sub3A : i32
          %mul3A_767 = arith.constant 32 : i32
          %mul3A_768 = arith.muli %sub3A_766, %mul3A_767 : i32
          %add3A_769 = arith.addi %mul3A_768, %add3A : i32
          %mul3A_770 = arith.constant 100 : i32
          %mul3A_771 = arith.muli %add3A_769, %mul3A_770 : i32
          %dma_wait3A_772 = arith.constant 4 : i32
          %dma_wait3A_773 = arith.constant 0 : i32
          %dma_wait3A_774 = arith.constant 0 : i32
          %dma_wait3A_775 = tpu.memref_slice %arg8[%dma_wait3A_772, %dma_wait3A_773, %dma_wait3A_774] : memref<8x100x128xf32, #tpu.memory_space<vmem>> -> memref<1x100x128xf32, #tpu.memory_space<vmem>>
          %dma_wait3A_776 = tpu.memref_squeeze %dma_wait3A_775 : memref<1x100x128xf32, #tpu.memory_space<vmem>> -> memref<100x128xf32, #tpu.memory_space<vmem>>
          %dma_wait3A_777 = arith.constant 0 : i32
          %dma_wait3A_778 = tpu.memref_slice %arg5[%mul3A_771, %dma_wait3A_777] : memref<204800x128xf32, #tpu.memory_space<hbm>> -> memref<100x128xf32, #tpu.memory_space<hbm>>
          %dma_wait3A_779 = arith.constant 0 : i32
          %dma_wait3A_780 = tpu.memref_slice %arg5[%mul3A_771, %dma_wait3A_779] : memref<204800x128xf32, #tpu.memory_space<hbm>> -> memref<100x128xf32, #tpu.memory_space<hbm>>
          %dma_wait3A_781 = arith.constant 0 : i32
          %dma_wait3A_782 = arith.constant 0 : i32
          %dma_wait3A_783 = tpu.memref_slice %arg8[%dma_wait3A_772, %dma_wait3A_781, %dma_wait3A_782] : memref<8x100x128xf32, #tpu.memory_space<vmem>> -> memref<1x100x128xf32, #tpu.memory_space<vmem>>
          %dma_wait3A_784 = tpu.memref_squeeze %dma_wait3A_783 : memref<1x100x128xf32, #tpu.memory_space<vmem>> -> memref<100x128xf32, #tpu.memory_space<vmem>>
          tpu.wait_dma2 semaphore(%arg21 : memref<!tpu.dma_semaphore, #tpu.memory_space<semaphore_mem>>) src(%dma_wait3A_784 : memref<100x128xf32, #tpu.memory_space<vmem>>) dst(%dma_wait3A_780 : memref<100x128xf32, #tpu.memory_space<hbm>>)
        } else {
        }
        %rem3A_749 = arith.constant 2 : i32
        %rem3A_750 = arith.remsi %add3A, %rem3A_749 : i32
        %mul3A_751 = arith.constant 100 : i32
        %mul3A_752 = arith.muli %rem3A_750, %mul3A_751 : i32
        %dma_start3A_753 = arith.constant 4 : i32
        %dma_start3A_754 = arith.constant 0 : i32
        %dma_start3A_755 = arith.constant 0 : i32
        %dma_start3A_756 = tpu.memref_slice %arg8[%dma_start3A_753, %dma_start3A_754, %dma_start3A_755] : memref<8x100x128xf32, #tpu.memory_space<vmem>> -> memref<1x100x128xf32, #tpu.memory_space<vmem>>
        %dma_start3A_757 = tpu.memref_squeeze %dma_start3A_756 : memref<1x100x128xf32, #tpu.memory_space<vmem>> -> memref<100x128xf32, #tpu.memory_space<vmem>>
        %dma_start3A_758 = arith.constant 0 : i32
        %dma_start3A_759 = tpu.memref_slice %arg7[%mul3A_752, %dma_start3A_758] : memref<200x128xf32, #tpu.memory_space<vmem_shared>> -> memref<100x128xf32, #tpu.memory_space<vmem_shared>>
        %dma_start3A_760 = arith.constant 0 : i32
        %dma_start3A_761 = arith.constant 0 : i32
        %dma_start3A_762 = tpu.memref_slice %arg8[%dma_start3A_753, %dma_start3A_760, %dma_start3A_761] : memref<8x100x128xf32, #tpu.memory_space<vmem>> -> memref<1x100x128xf32, #tpu.memory_space<vmem>>
        %dma_start3A_763 = tpu.memref_squeeze %dma_start3A_762 : memref<1x100x128xf32, #tpu.memory_space<vmem>> -> memref<100x128xf32, #tpu.memory_space<vmem>>
        %dma_start3A_764 = arith.constant 0 : i32
        %dma_start3A_765 = tpu.memref_slice %arg7[%mul3A_752, %dma_start3A_764] : memref<200x128xf32, #tpu.memory_space<vmem_shared>> -> memref<100x128xf32, #tpu.memory_space<vmem_shared>>
        tpu.enqueue_dma source(%dma_start3A_765 : memref<100x128xf32, #tpu.memory_space<vmem_shared>>) target(%dma_start3A_763 : memref<100x128xf32, #tpu.memory_space<vmem>>) target_semaphore(%arg29 : memref<!tpu.dma_semaphore, #tpu.memory_space<semaphore_mem>>)
      } else {
      }
      %add3A_691 = arith.constant 4 : i32
      %add3A_692 = arith.addi %add3A_654, %add3A_691 : i32
      %lt3A_693 = arith.constant 64 : i32
      %lt3A_694 = arith.cmpi slt, %add3A_692, %lt3A_693 : i32
      %convert_element_type3A_695 = arith.extui %lt3A_694 : i1 to i32
      %cond3A_696 = arith.constant 0 : i32
      %cond3A_697 = arith.cmpi ne, %convert_element_type3A_695, %cond3A_696 : i32
      scf.if %cond3A_697 {
        %rem3A_745 = arith.constant 2 : i32
        %rem3A_746 = arith.remsi %add3A, %rem3A_745 : i32
        %mul3A_747 = arith.constant 100 : i32
        %mul3A_748 = arith.muli %rem3A_746, %mul3A_747 : i32
        %dma_wait3A_749 = arith.constant 2 : i32
        %dma_wait3A_750 = arith.constant 0 : i32
        %dma_wait3A_751 = arith.constant 0 : i32
        %dma_wait3A_752 = tpu.memref_slice %arg8[%dma_wait3A_749, %dma_wait3A_750, %dma_wait3A_751] : memref<8x100x128xf32, #tpu.memory_space<vmem>> -> memref<1x100x128xf32, #tpu.memory_space<vmem>>
        %dma_wait3A_753 = tpu.memref_squeeze %dma_wait3A_752 : memref<1x100x128xf32, #tpu.memory_space<vmem>> -> memref<100x128xf32, #tpu.memory_space<vmem>>
        %dma_wait3A_754 = arith.constant 0 : i32
        %dma_wait3A_755 = tpu.memref_slice %arg7[%mul3A_748, %dma_wait3A_754] : memref<200x128xf32, #tpu.memory_space<vmem_shared>> -> memref<100x128xf32, #tpu.memory_space<vmem_shared>>
        %dma_wait3A_756 = arith.constant 0 : i32
        %dma_wait3A_757 = arith.constant 0 : i32
        %dma_wait3A_758 = tpu.memref_slice %arg8[%dma_wait3A_749, %dma_wait3A_756, %dma_wait3A_757] : memref<8x100x128xf32, #tpu.memory_space<vmem>> -> memref<1x100x128xf32, #tpu.memory_space<vmem>>
        %dma_wait3A_759 = tpu.memref_squeeze %dma_wait3A_758 : memref<1x100x128xf32, #tpu.memory_space<vmem>> -> memref<100x128xf32, #tpu.memory_space<vmem>>
        %dma_wait3A_760 = arith.constant 0 : i32
        %dma_wait3A_761 = tpu.memref_slice %arg7[%mul3A_748, %dma_wait3A_760] : memref<200x128xf32, #tpu.memory_space<vmem_shared>> -> memref<100x128xf32, #tpu.memory_space<vmem_shared>>
        tpu.wait_dma2 semaphore(%arg27 : memref<!tpu.dma_semaphore, #tpu.memory_space<semaphore_mem>>) src(%dma_wait3A_761 : memref<100x128xf32, #tpu.memory_space<vmem_shared>>) dst(%dma_wait3A_759 : memref<100x128xf32, #tpu.memory_space<vmem>>)
        %dma_start3A_762 = arith.constant 2 : i32
        %dma_start3A_763 = arith.constant 0 : i32
        %dma_start3A_764 = arith.constant 0 : i32
        %dma_start3A_765 = tpu.memref_slice %arg8[%dma_start3A_762, %dma_start3A_763, %dma_start3A_764] : memref<8x100x128xf32, #tpu.memory_space<vmem>> -> memref<1x100x128xf32, #tpu.memory_space<vmem>>
        %dma_start3A_766 = tpu.memref_squeeze %dma_start3A_765 : memref<1x100x128xf32, #tpu.memory_space<vmem>> -> memref<100x128xf32, #tpu.memory_space<vmem>>
        %dma_start3A_767 = arith.constant 0 : i32
        %dma_start3A_768 = tpu.memref_slice %arg6[%add3A_692, %dma_start3A_767] : memref<64x100xi32, #tpu.memory_space<vmem>> -> memref<1x100xi32, #tpu.memory_space<vmem>>
        %dma_start3A_769 = tpu.memref_squeeze %dma_start3A_768 : memref<1x100xi32, #tpu.memory_space<vmem>> -> memref<100xi32, #tpu.memory_space<vmem>>
        %dma_start3A_770 = arith.constant 0 : i32
        %dma_start3A_771 = arith.constant 0 : i32
        %dma_start3A_772 = tpu.memref_slice %arg3[%dma_start3A_770, %dma_start3A_771] : memref<100000x128xf32, #tpu.memory_space<hbm>> -> memref<100000x128xf32, #tpu.memory_space<hbm>>
        tpu.enqueue_indirect_dma source(%dma_start3A_772 : memref<100000x128xf32, #tpu.memory_space<hbm>>) target(%dma_start3A_766 : memref<100x128xf32, #tpu.memory_space<vmem>>) offsets(%dma_start3A_769 : memref<100xi32, #tpu.memory_space<vmem>>) semaphore(%arg11 : memref<!tpu.dma_semaphore, #tpu.memory_space<semaphore_mem>>) {add = true}
      } else {
      }
      %mul3A_698 = arith.constant 8 : i32
      %mul3A_699 = arith.muli %scan3A_369, %mul3A_698 : i32
      %add3A_700 = arith.constant 7 : i32
      %add3A_701 = arith.addi %mul3A_699, %add3A_700 : i32
      %dma_wait3A_702 = arith.constant 7 : i32
      %dma_wait3A_703 = arith.constant 0 : i32
      %dma_wait3A_704 = arith.constant 0 : i32
      %dma_wait3A_705 = tpu.memref_slice %arg8[%dma_wait3A_702, %dma_wait3A_703, %dma_wait3A_704] : memref<8x100x128xf32, #tpu.memory_space<vmem>> -> memref<1x100x128xf32, #tpu.memory_space<vmem>>
      %dma_wait3A_706 = tpu.memref_squeeze %dma_wait3A_705 : memref<1x100x128xf32, #tpu.memory_space<vmem>> -> memref<100x128xf32, #tpu.memory_space<vmem>>
      %dma_wait3A_707 = arith.constant 0 : i32
      %dma_wait3A_708 = tpu.memref_slice %arg6[%add3A_701, %dma_wait3A_707] : memref<64x100xi32, #tpu.memory_space<vmem>> -> memref<1x100xi32, #tpu.memory_space<vmem>>
      %dma_wait3A_709 = tpu.memref_squeeze %dma_wait3A_708 : memref<1x100xi32, #tpu.memory_space<vmem>> -> memref<100xi32, #tpu.memory_space<vmem>>
      %dma_wait3A_710 = arith.constant 0 : i32
      %dma_wait3A_711 = arith.constant 0 : i32
      %dma_wait3A_712 = tpu.memref_slice %arg3[%dma_wait3A_710, %dma_wait3A_711] : memref<100000x128xf32, #tpu.memory_space<hbm>> -> memref<100000x128xf32, #tpu.memory_space<hbm>>
      tpu.wait_indirect_dma semaphore(%arg16 : memref<!tpu.dma_semaphore, #tpu.memory_space<semaphore_mem>>) src(%dma_wait3A_712 : memref<100000x128xf32, #tpu.memory_space<hbm>>) dst(%dma_wait3A_706 : memref<100x128xf32, #tpu.memory_space<vmem>>)
      %mul3A_713 = arith.constant 32 : i32
      %mul3A_714 = arith.muli %add3A_701, %mul3A_713 : i32
      %add3A_715 = arith.addi %mul3A_714, %add3A : i32
      %mul3A_716 = arith.constant 100 : i32
      %mul3A_717 = arith.muli %add3A_715, %mul3A_716 : i32
      %dma_start3A_718 = arith.constant 7 : i32
      %dma_start3A_719 = arith.constant 0 : i32
      %dma_start3A_720 = arith.constant 0 : i32
      %dma_start3A_721 = tpu.memref_slice %arg8[%dma_start3A_718, %dma_start3A_719, %dma_start3A_720] : memref<8x100x128xf32, #tpu.memory_space<vmem>> -> memref<1x100x128xf32, #tpu.memory_space<vmem>>
      %dma_start3A_722 = tpu.memref_squeeze %dma_start3A_721 : memref<1x100x128xf32, #tpu.memory_space<vmem>> -> memref<100x128xf32, #tpu.memory_space<vmem>>
      %dma_start3A_723 = arith.constant 0 : i32
      %dma_start3A_724 = tpu.memref_slice %arg5[%mul3A_717, %dma_start3A_723] : memref<204800x128xf32, #tpu.memory_space<hbm>> -> memref<100x128xf32, #tpu.memory_space<hbm>>
      %dma_start3A_725 = arith.constant 0 : i32
      %dma_start3A_726 = tpu.memref_slice %arg5[%mul3A_717, %dma_start3A_725] : memref<204800x128xf32, #tpu.memory_space<hbm>> -> memref<100x128xf32, #tpu.memory_space<hbm>>
      %dma_start3A_727 = arith.constant 0 : i32
      %dma_start3A_728 = arith.constant 0 : i32
      %dma_start3A_729 = tpu.memref_slice %arg8[%dma_start3A_718, %dma_start3A_727, %dma_start3A_728] : memref<8x100x128xf32, #tpu.memory_space<vmem>> -> memref<1x100x128xf32, #tpu.memory_space<vmem>>
      %dma_start3A_730 = tpu.memref_squeeze %dma_start3A_729 : memref<1x100x128xf32, #tpu.memory_space<vmem>> -> memref<100x128xf32, #tpu.memory_space<vmem>>
      tpu.enqueue_dma source(%dma_start3A_730 : memref<100x128xf32, #tpu.memory_space<vmem>>) target(%dma_start3A_726 : memref<100x128xf32, #tpu.memory_space<hbm>>) target_semaphore(%arg24 : memref<!tpu.dma_semaphore, #tpu.memory_space<semaphore_mem>>)
      %add3A_731 = arith.constant 6 : i32
      %add3A_732 = arith.addi %add3A_701, %add3A_731 : i32
      %lt3A_733 = arith.constant 64 : i32
      %lt3A_734 = arith.cmpi slt, %add3A_732, %lt3A_733 : i32
      %convert_element_type3A_735 = arith.extui %lt3A_734 : i1 to i32
      %cond3A_736 = arith.constant 0 : i32
      %cond3A_737 = arith.cmpi ne, %convert_element_type3A_735, %cond3A_736 : i32
      scf.if %cond3A_737 {
        %ge3A = arith.constant 8 : i32
        %ge3A_745 = arith.cmpi sge, %add3A_732, %ge3A : i32
        %convert_element_type3A_746 = arith.extui %ge3A_745 : i1 to i32
        %cond3A_747 = arith.constant 0 : i32
        %cond3A_748 = arith.cmpi ne, %convert_element_type3A_746, %cond3A_747 : i32
        scf.if %cond3A_748 {
          %sub3A = arith.constant 8 : i32
          %sub3A_766 = arith.subi %add3A_732, %sub3A : i32
          %mul3A_767 = arith.constant 32 : i32
          %mul3A_768 = arith.muli %sub3A_766, %mul3A_767 : i32
          %add3A_769 = arith.addi %mul3A_768, %add3A : i32
          %mul3A_770 = arith.constant 100 : i32
          %mul3A_771 = arith.muli %add3A_769, %mul3A_770 : i32
          %dma_wait3A_772 = arith.constant 5 : i32
          %dma_wait3A_773 = arith.constant 0 : i32
          %dma_wait3A_774 = arith.constant 0 : i32
          %dma_wait3A_775 = tpu.memref_slice %arg8[%dma_wait3A_772, %dma_wait3A_773, %dma_wait3A_774] : memref<8x100x128xf32, #tpu.memory_space<vmem>> -> memref<1x100x128xf32, #tpu.memory_space<vmem>>
          %dma_wait3A_776 = tpu.memref_squeeze %dma_wait3A_775 : memref<1x100x128xf32, #tpu.memory_space<vmem>> -> memref<100x128xf32, #tpu.memory_space<vmem>>
          %dma_wait3A_777 = arith.constant 0 : i32
          %dma_wait3A_778 = tpu.memref_slice %arg5[%mul3A_771, %dma_wait3A_777] : memref<204800x128xf32, #tpu.memory_space<hbm>> -> memref<100x128xf32, #tpu.memory_space<hbm>>
          %dma_wait3A_779 = arith.constant 0 : i32
          %dma_wait3A_780 = tpu.memref_slice %arg5[%mul3A_771, %dma_wait3A_779] : memref<204800x128xf32, #tpu.memory_space<hbm>> -> memref<100x128xf32, #tpu.memory_space<hbm>>
          %dma_wait3A_781 = arith.constant 0 : i32
          %dma_wait3A_782 = arith.constant 0 : i32
          %dma_wait3A_783 = tpu.memref_slice %arg8[%dma_wait3A_772, %dma_wait3A_781, %dma_wait3A_782] : memref<8x100x128xf32, #tpu.memory_space<vmem>> -> memref<1x100x128xf32, #tpu.memory_space<vmem>>
          %dma_wait3A_784 = tpu.memref_squeeze %dma_wait3A_783 : memref<1x100x128xf32, #tpu.memory_space<vmem>> -> memref<100x128xf32, #tpu.memory_space<vmem>>
          tpu.wait_dma2 semaphore(%arg22 : memref<!tpu.dma_semaphore, #tpu.memory_space<semaphore_mem>>) src(%dma_wait3A_784 : memref<100x128xf32, #tpu.memory_space<vmem>>) dst(%dma_wait3A_780 : memref<100x128xf32, #tpu.memory_space<hbm>>)
        } else {
        }
        %rem3A_749 = arith.constant 2 : i32
        %rem3A_750 = arith.remsi %add3A, %rem3A_749 : i32
        %mul3A_751 = arith.constant 100 : i32
        %mul3A_752 = arith.muli %rem3A_750, %mul3A_751 : i32
        %dma_start3A_753 = arith.constant 5 : i32
        %dma_start3A_754 = arith.constant 0 : i32
        %dma_start3A_755 = arith.constant 0 : i32
        %dma_start3A_756 = tpu.memref_slice %arg8[%dma_start3A_753, %dma_start3A_754, %dma_start3A_755] : memref<8x100x128xf32, #tpu.memory_space<vmem>> -> memref<1x100x128xf32, #tpu.memory_space<vmem>>
        %dma_start3A_757 = tpu.memref_squeeze %dma_start3A_756 : memref<1x100x128xf32, #tpu.memory_space<vmem>> -> memref<100x128xf32, #tpu.memory_space<vmem>>
        %dma_start3A_758 = arith.constant 0 : i32
        %dma_start3A_759 = tpu.memref_slice %arg7[%mul3A_752, %dma_start3A_758] : memref<200x128xf32, #tpu.memory_space<vmem_shared>> -> memref<100x128xf32, #tpu.memory_space<vmem_shared>>
        %dma_start3A_760 = arith.constant 0 : i32
        %dma_start3A_761 = arith.constant 0 : i32
        %dma_start3A_762 = tpu.memref_slice %arg8[%dma_start3A_753, %dma_start3A_760, %dma_start3A_761] : memref<8x100x128xf32, #tpu.memory_space<vmem>> -> memref<1x100x128xf32, #tpu.memory_space<vmem>>
        %dma_start3A_763 = tpu.memref_squeeze %dma_start3A_762 : memref<1x100x128xf32, #tpu.memory_space<vmem>> -> memref<100x128xf32, #tpu.memory_space<vmem>>
        %dma_start3A_764 = arith.constant 0 : i32
        %dma_start3A_765 = tpu.memref_slice %arg7[%mul3A_752, %dma_start3A_764] : memref<200x128xf32, #tpu.memory_space<vmem_shared>> -> memref<100x128xf32, #tpu.memory_space<vmem_shared>>
        tpu.enqueue_dma source(%dma_start3A_765 : memref<100x128xf32, #tpu.memory_space<vmem_shared>>) target(%dma_start3A_763 : memref<100x128xf32, #tpu.memory_space<vmem>>) target_semaphore(%arg30 : memref<!tpu.dma_semaphore, #tpu.memory_space<semaphore_mem>>)
      } else {
      }
      %add3A_738 = arith.constant 4 : i32
      %add3A_739 = arith.addi %add3A_701, %add3A_738 : i32
      %lt3A_740 = arith.constant 64 : i32
      %lt3A_741 = arith.cmpi slt, %add3A_739, %lt3A_740 : i32
      %convert_element_type3A_742 = arith.extui %lt3A_741 : i1 to i32
      %cond3A_743 = arith.constant 0 : i32
      %cond3A_744 = arith.cmpi ne, %convert_element_type3A_742, %cond3A_743 : i32
      scf.if %cond3A_744 {
        %rem3A_745 = arith.constant 2 : i32
        %rem3A_746 = arith.remsi %add3A, %rem3A_745 : i32
        %mul3A_747 = arith.constant 100 : i32
        %mul3A_748 = arith.muli %rem3A_746, %mul3A_747 : i32
        %dma_wait3A_749 = arith.constant 3 : i32
        %dma_wait3A_750 = arith.constant 0 : i32
        %dma_wait3A_751 = arith.constant 0 : i32
        %dma_wait3A_752 = tpu.memref_slice %arg8[%dma_wait3A_749, %dma_wait3A_750, %dma_wait3A_751] : memref<8x100x128xf32, #tpu.memory_space<vmem>> -> memref<1x100x128xf32, #tpu.memory_space<vmem>>
        %dma_wait3A_753 = tpu.memref_squeeze %dma_wait3A_752 : memref<1x100x128xf32, #tpu.memory_space<vmem>> -> memref<100x128xf32, #tpu.memory_space<vmem>>
        %dma_wait3A_754 = arith.constant 0 : i32
        %dma_wait3A_755 = tpu.memref_slice %arg7[%mul3A_748, %dma_wait3A_754] : memref<200x128xf32, #tpu.memory_space<vmem_shared>> -> memref<100x128xf32, #tpu.memory_space<vmem_shared>>
        %dma_wait3A_756 = arith.constant 0 : i32
        %dma_wait3A_757 = arith.constant 0 : i32
        %dma_wait3A_758 = tpu.memref_slice %arg8[%dma_wait3A_749, %dma_wait3A_756, %dma_wait3A_757] : memref<8x100x128xf32, #tpu.memory_space<vmem>> -> memref<1x100x128xf32, #tpu.memory_space<vmem>>
        %dma_wait3A_759 = tpu.memref_squeeze %dma_wait3A_758 : memref<1x100x128xf32, #tpu.memory_space<vmem>> -> memref<100x128xf32, #tpu.memory_space<vmem>>
        %dma_wait3A_760 = arith.constant 0 : i32
        %dma_wait3A_761 = tpu.memref_slice %arg7[%mul3A_748, %dma_wait3A_760] : memref<200x128xf32, #tpu.memory_space<vmem_shared>> -> memref<100x128xf32, #tpu.memory_space<vmem_shared>>
        tpu.wait_dma2 semaphore(%arg28 : memref<!tpu.dma_semaphore, #tpu.memory_space<semaphore_mem>>) src(%dma_wait3A_761 : memref<100x128xf32, #tpu.memory_space<vmem_shared>>) dst(%dma_wait3A_759 : memref<100x128xf32, #tpu.memory_space<vmem>>)
        %dma_start3A_762 = arith.constant 3 : i32
        %dma_start3A_763 = arith.constant 0 : i32
        %dma_start3A_764 = arith.constant 0 : i32
        %dma_start3A_765 = tpu.memref_slice %arg8[%dma_start3A_762, %dma_start3A_763, %dma_start3A_764] : memref<8x100x128xf32, #tpu.memory_space<vmem>> -> memref<1x100x128xf32, #tpu.memory_space<vmem>>
        %dma_start3A_766 = tpu.memref_squeeze %dma_start3A_765 : memref<1x100x128xf32, #tpu.memory_space<vmem>> -> memref<100x128xf32, #tpu.memory_space<vmem>>
        %dma_start3A_767 = arith.constant 0 : i32
        %dma_start3A_768 = tpu.memref_slice %arg6[%add3A_739, %dma_start3A_767] : memref<64x100xi32, #tpu.memory_space<vmem>> -> memref<1x100xi32, #tpu.memory_space<vmem>>
        %dma_start3A_769 = tpu.memref_squeeze %dma_start3A_768 : memref<1x100xi32, #tpu.memory_space<vmem>> -> memref<100xi32, #tpu.memory_space<vmem>>
        %dma_start3A_770 = arith.constant 0 : i32
        %dma_start3A_771 = arith.constant 0 : i32
        %dma_start3A_772 = tpu.memref_slice %arg3[%dma_start3A_770, %dma_start3A_771] : memref<100000x128xf32, #tpu.memory_space<hbm>> -> memref<100000x128xf32, #tpu.memory_space<hbm>>
        tpu.enqueue_indirect_dma source(%dma_start3A_772 : memref<100000x128xf32, #tpu.memory_space<hbm>>) target(%dma_start3A_766 : memref<100x128xf32, #tpu.memory_space<vmem>>) offsets(%dma_start3A_769 : memref<100xi32, #tpu.memory_space<vmem>>) semaphore(%arg12 : memref<!tpu.dma_semaphore, #tpu.memory_space<semaphore_mem>>) {add = true}
      } else {
      }
    }
    %scan3A_232 = arith.constant 8 : i32
    %add3A_233 = arith.constant 1792 : i32
    %add3A_234 = arith.addi %add3A_233, %add3A : i32
    %mul3A_235 = arith.constant 100 : i32
    %mul3A_236 = arith.muli %add3A_234, %mul3A_235 : i32
    %dma_wait3A_237 = arith.constant 0 : i32
    %dma_wait3A_238 = arith.constant 0 : i32
    %dma_wait3A_239 = arith.constant 0 : i32
    %dma_wait3A_240 = tpu.memref_slice %arg8[%dma_wait3A_237, %dma_wait3A_238, %dma_wait3A_239] : memref<8x100x128xf32, #tpu.memory_space<vmem>> -> memref<1x100x128xf32, #tpu.memory_space<vmem>>
    %dma_wait3A_241 = tpu.memref_squeeze %dma_wait3A_240 : memref<1x100x128xf32, #tpu.memory_space<vmem>> -> memref<100x128xf32, #tpu.memory_space<vmem>>
    %dma_wait3A_242 = arith.constant 0 : i32
    %dma_wait3A_243 = tpu.memref_slice %arg5[%mul3A_236, %dma_wait3A_242] : memref<204800x128xf32, #tpu.memory_space<hbm>> -> memref<100x128xf32, #tpu.memory_space<hbm>>
    %dma_wait3A_244 = arith.constant 0 : i32
    %dma_wait3A_245 = tpu.memref_slice %arg5[%mul3A_236, %dma_wait3A_244] : memref<204800x128xf32, #tpu.memory_space<hbm>> -> memref<100x128xf32, #tpu.memory_space<hbm>>
    %dma_wait3A_246 = arith.constant 0 : i32
    %dma_wait3A_247 = arith.constant 0 : i32
    %dma_wait3A_248 = tpu.memref_slice %arg8[%dma_wait3A_237, %dma_wait3A_246, %dma_wait3A_247] : memref<8x100x128xf32, #tpu.memory_space<vmem>> -> memref<1x100x128xf32, #tpu.memory_space<vmem>>
    %dma_wait3A_249 = tpu.memref_squeeze %dma_wait3A_248 : memref<1x100x128xf32, #tpu.memory_space<vmem>> -> memref<100x128xf32, #tpu.memory_space<vmem>>
    tpu.wait_dma2 semaphore(%arg17 : memref<!tpu.dma_semaphore, #tpu.memory_space<semaphore_mem>>) src(%dma_wait3A_249 : memref<100x128xf32, #tpu.memory_space<vmem>>) dst(%dma_wait3A_245 : memref<100x128xf32, #tpu.memory_space<hbm>>)
    %add3A_250 = arith.constant 1824 : i32
    %add3A_251 = arith.addi %add3A_250, %add3A : i32
    %mul3A_252 = arith.constant 100 : i32
    %mul3A_253 = arith.muli %add3A_251, %mul3A_252 : i32
    %dma_wait3A_254 = arith.constant 1 : i32
    %dma_wait3A_255 = arith.constant 0 : i32
    %dma_wait3A_256 = arith.constant 0 : i32
    %dma_wait3A_257 = tpu.memref_slice %arg8[%dma_wait3A_254, %dma_wait3A_255, %dma_wait3A_256] : memref<8x100x128xf32, #tpu.memory_space<vmem>> -> memref<1x100x128xf32, #tpu.memory_space<vmem>>
    %dma_wait3A_258 = tpu.memref_squeeze %dma_wait3A_257 : memref<1x100x128xf32, #tpu.memory_space<vmem>> -> memref<100x128xf32, #tpu.memory_space<vmem>>
    %dma_wait3A_259 = arith.constant 0 : i32
    %dma_wait3A_260 = tpu.memref_slice %arg5[%mul3A_253, %dma_wait3A_259] : memref<204800x128xf32, #tpu.memory_space<hbm>> -> memref<100x128xf32, #tpu.memory_space<hbm>>
    %dma_wait3A_261 = arith.constant 0 : i32
    %dma_wait3A_262 = tpu.memref_slice %arg5[%mul3A_253, %dma_wait3A_261] : memref<204800x128xf32, #tpu.memory_space<hbm>> -> memref<100x128xf32, #tpu.memory_space<hbm>>
    %dma_wait3A_263 = arith.constant 0 : i32
    %dma_wait3A_264 = arith.constant 0 : i32
    %dma_wait3A_265 = tpu.memref_slice %arg8[%dma_wait3A_254, %dma_wait3A_263, %dma_wait3A_264] : memref<8x100x128xf32, #tpu.memory_space<vmem>> -> memref<1x100x128xf32, #tpu.memory_space<vmem>>
    %dma_wait3A_266 = tpu.memref_squeeze %dma_wait3A_265 : memref<1x100x128xf32, #tpu.memory_space<vmem>> -> memref<100x128xf32, #tpu.memory_space<vmem>>
    tpu.wait_dma2 semaphore(%arg18 : memref<!tpu.dma_semaphore, #tpu.memory_space<semaphore_mem>>) src(%dma_wait3A_266 : memref<100x128xf32, #tpu.memory_space<vmem>>) dst(%dma_wait3A_262 : memref<100x128xf32, #tpu.memory_space<hbm>>)
    %add3A_267 = arith.constant 1856 : i32
    %add3A_268 = arith.addi %add3A_267, %add3A : i32
    %mul3A_269 = arith.constant 100 : i32
    %mul3A_270 = arith.muli %add3A_268, %mul3A_269 : i32
    %dma_wait3A_271 = arith.constant 2 : i32
    %dma_wait3A_272 = arith.constant 0 : i32
    %dma_wait3A_273 = arith.constant 0 : i32
    %dma_wait3A_274 = tpu.memref_slice %arg8[%dma_wait3A_271, %dma_wait3A_272, %dma_wait3A_273] : memref<8x100x128xf32, #tpu.memory_space<vmem>> -> memref<1x100x128xf32, #tpu.memory_space<vmem>>
    %dma_wait3A_275 = tpu.memref_squeeze %dma_wait3A_274 : memref<1x100x128xf32, #tpu.memory_space<vmem>> -> memref<100x128xf32, #tpu.memory_space<vmem>>
    %dma_wait3A_276 = arith.constant 0 : i32
    %dma_wait3A_277 = tpu.memref_slice %arg5[%mul3A_270, %dma_wait3A_276] : memref<204800x128xf32, #tpu.memory_space<hbm>> -> memref<100x128xf32, #tpu.memory_space<hbm>>
    %dma_wait3A_278 = arith.constant 0 : i32
    %dma_wait3A_279 = tpu.memref_slice %arg5[%mul3A_270, %dma_wait3A_278] : memref<204800x128xf32, #tpu.memory_space<hbm>> -> memref<100x128xf32, #tpu.memory_space<hbm>>
    %dma_wait3A_280 = arith.constant 0 : i32
    %dma_wait3A_281 = arith.constant 0 : i32
    %dma_wait3A_282 = tpu.memref_slice %arg8[%dma_wait3A_271, %dma_wait3A_280, %dma_wait3A_281] : memref<8x100x128xf32, #tpu.memory_space<vmem>> -> memref<1x100x128xf32, #tpu.memory_space<vmem>>
    %dma_wait3A_283 = tpu.memref_squeeze %dma_wait3A_282 : memref<1x100x128xf32, #tpu.memory_space<vmem>> -> memref<100x128xf32, #tpu.memory_space<vmem>>
    tpu.wait_dma2 semaphore(%arg19 : memref<!tpu.dma_semaphore, #tpu.memory_space<semaphore_mem>>) src(%dma_wait3A_283 : memref<100x128xf32, #tpu.memory_space<vmem>>) dst(%dma_wait3A_279 : memref<100x128xf32, #tpu.memory_space<hbm>>)
    %add3A_284 = arith.constant 1888 : i32
    %add3A_285 = arith.addi %add3A_284, %add3A : i32
    %mul3A_286 = arith.constant 100 : i32
    %mul3A_287 = arith.muli %add3A_285, %mul3A_286 : i32
    %dma_wait3A_288 = arith.constant 3 : i32
    %dma_wait3A_289 = arith.constant 0 : i32
    %dma_wait3A_290 = arith.constant 0 : i32
    %dma_wait3A_291 = tpu.memref_slice %arg8[%dma_wait3A_288, %dma_wait3A_289, %dma_wait3A_290] : memref<8x100x128xf32, #tpu.memory_space<vmem>> -> memref<1x100x128xf32, #tpu.memory_space<vmem>>
    %dma_wait3A_292 = tpu.memref_squeeze %dma_wait3A_291 : memref<1x100x128xf32, #tpu.memory_space<vmem>> -> memref<100x128xf32, #tpu.memory_space<vmem>>
    %dma_wait3A_293 = arith.constant 0 : i32
    %dma_wait3A_294 = tpu.memref_slice %arg5[%mul3A_287, %dma_wait3A_293] : memref<204800x128xf32, #tpu.memory_space<hbm>> -> memref<100x128xf32, #tpu.memory_space<hbm>>
    %dma_wait3A_295 = arith.constant 0 : i32
    %dma_wait3A_296 = tpu.memref_slice %arg5[%mul3A_287, %dma_wait3A_295] : memref<204800x128xf32, #tpu.memory_space<hbm>> -> memref<100x128xf32, #tpu.memory_space<hbm>>
    %dma_wait3A_297 = arith.constant 0 : i32
    %dma_wait3A_298 = arith.constant 0 : i32
    %dma_wait3A_299 = tpu.memref_slice %arg8[%dma_wait3A_288, %dma_wait3A_297, %dma_wait3A_298] : memref<8x100x128xf32, #tpu.memory_space<vmem>> -> memref<1x100x128xf32, #tpu.memory_space<vmem>>
    %dma_wait3A_300 = tpu.memref_squeeze %dma_wait3A_299 : memref<1x100x128xf32, #tpu.memory_space<vmem>> -> memref<100x128xf32, #tpu.memory_space<vmem>>
    tpu.wait_dma2 semaphore(%arg20 : memref<!tpu.dma_semaphore, #tpu.memory_space<semaphore_mem>>) src(%dma_wait3A_300 : memref<100x128xf32, #tpu.memory_space<vmem>>) dst(%dma_wait3A_296 : memref<100x128xf32, #tpu.memory_space<hbm>>)
    %add3A_301 = arith.constant 1920 : i32
    %add3A_302 = arith.addi %add3A_301, %add3A : i32
    %mul3A_303 = arith.constant 100 : i32
    %mul3A_304 = arith.muli %add3A_302, %mul3A_303 : i32
    %dma_wait3A_305 = arith.constant 4 : i32
    %dma_wait3A_306 = arith.constant 0 : i32
    %dma_wait3A_307 = arith.constant 0 : i32
    %dma_wait3A_308 = tpu.memref_slice %arg8[%dma_wait3A_305, %dma_wait3A_306, %dma_wait3A_307] : memref<8x100x128xf32, #tpu.memory_space<vmem>> -> memref<1x100x128xf32, #tpu.memory_space<vmem>>
    %dma_wait3A_309 = tpu.memref_squeeze %dma_wait3A_308 : memref<1x100x128xf32, #tpu.memory_space<vmem>> -> memref<100x128xf32, #tpu.memory_space<vmem>>
    %dma_wait3A_310 = arith.constant 0 : i32
    %dma_wait3A_311 = tpu.memref_slice %arg5[%mul3A_304, %dma_wait3A_310] : memref<204800x128xf32, #tpu.memory_space<hbm>> -> memref<100x128xf32, #tpu.memory_space<hbm>>
    %dma_wait3A_312 = arith.constant 0 : i32
    %dma_wait3A_313 = tpu.memref_slice %arg5[%mul3A_304, %dma_wait3A_312] : memref<204800x128xf32, #tpu.memory_space<hbm>> -> memref<100x128xf32, #tpu.memory_space<hbm>>
    %dma_wait3A_314 = arith.constant 0 : i32
    %dma_wait3A_315 = arith.constant 0 : i32
    %dma_wait3A_316 = tpu.memref_slice %arg8[%dma_wait3A_305, %dma_wait3A_314, %dma_wait3A_315] : memref<8x100x128xf32, #tpu.memory_space<vmem>> -> memref<1x100x128xf32, #tpu.memory_space<vmem>>
    %dma_wait3A_317 = tpu.memref_squeeze %dma_wait3A_316 : memref<1x100x128xf32, #tpu.memory_space<vmem>> -> memref<100x128xf32, #tpu.memory_space<vmem>>
    tpu.wait_dma2 semaphore(%arg21 : memref<!tpu.dma_semaphore, #tpu.memory_space<semaphore_mem>>) src(%dma_wait3A_317 : memref<100x128xf32, #tpu.memory_space<vmem>>) dst(%dma_wait3A_313 : memref<100x128xf32, #tpu.memory_space<hbm>>)
    %add3A_318 = arith.constant 1952 : i32
    %add3A_319 = arith.addi %add3A_318, %add3A : i32
    %mul3A_320 = arith.constant 100 : i32
    %mul3A_321 = arith.muli %add3A_319, %mul3A_320 : i32
    %dma_wait3A_322 = arith.constant 5 : i32
    %dma_wait3A_323 = arith.constant 0 : i32
    %dma_wait3A_324 = arith.constant 0 : i32
    %dma_wait3A_325 = tpu.memref_slice %arg8[%dma_wait3A_322, %dma_wait3A_323, %dma_wait3A_324] : memref<8x100x128xf32, #tpu.memory_space<vmem>> -> memref<1x100x128xf32, #tpu.memory_space<vmem>>
    %dma_wait3A_326 = tpu.memref_squeeze %dma_wait3A_325 : memref<1x100x128xf32, #tpu.memory_space<vmem>> -> memref<100x128xf32, #tpu.memory_space<vmem>>
    %dma_wait3A_327 = arith.constant 0 : i32
    %dma_wait3A_328 = tpu.memref_slice %arg5[%mul3A_321, %dma_wait3A_327] : memref<204800x128xf32, #tpu.memory_space<hbm>> -> memref<100x128xf32, #tpu.memory_space<hbm>>
    %dma_wait3A_329 = arith.constant 0 : i32
    %dma_wait3A_330 = tpu.memref_slice %arg5[%mul3A_321, %dma_wait3A_329] : memref<204800x128xf32, #tpu.memory_space<hbm>> -> memref<100x128xf32, #tpu.memory_space<hbm>>
    %dma_wait3A_331 = arith.constant 0 : i32
    %dma_wait3A_332 = arith.constant 0 : i32
    %dma_wait3A_333 = tpu.memref_slice %arg8[%dma_wait3A_322, %dma_wait3A_331, %dma_wait3A_332] : memref<8x100x128xf32, #tpu.memory_space<vmem>> -> memref<1x100x128xf32, #tpu.memory_space<vmem>>
    %dma_wait3A_334 = tpu.memref_squeeze %dma_wait3A_333 : memref<1x100x128xf32, #tpu.memory_space<vmem>> -> memref<100x128xf32, #tpu.memory_space<vmem>>
    tpu.wait_dma2 semaphore(%arg22 : memref<!tpu.dma_semaphore, #tpu.memory_space<semaphore_mem>>) src(%dma_wait3A_334 : memref<100x128xf32, #tpu.memory_space<vmem>>) dst(%dma_wait3A_330 : memref<100x128xf32, #tpu.memory_space<hbm>>)
    %add3A_335 = arith.constant 1984 : i32
    %add3A_336 = arith.addi %add3A_335, %add3A : i32
    %mul3A_337 = arith.constant 100 : i32
    %mul3A_338 = arith.muli %add3A_336, %mul3A_337 : i32
    %dma_wait3A_339 = arith.constant 6 : i32
    %dma_wait3A_340 = arith.constant 0 : i32
    %dma_wait3A_341 = arith.constant 0 : i32
    %dma_wait3A_342 = tpu.memref_slice %arg8[%dma_wait3A_339, %dma_wait3A_340, %dma_wait3A_341] : memref<8x100x128xf32, #tpu.memory_space<vmem>> -> memref<1x100x128xf32, #tpu.memory_space<vmem>>
    %dma_wait3A_343 = tpu.memref_squeeze %dma_wait3A_342 : memref<1x100x128xf32, #tpu.memory_space<vmem>> -> memref<100x128xf32, #tpu.memory_space<vmem>>
    %dma_wait3A_344 = arith.constant 0 : i32
    %dma_wait3A_345 = tpu.memref_slice %arg5[%mul3A_338, %dma_wait3A_344] : memref<204800x128xf32, #tpu.memory_space<hbm>> -> memref<100x128xf32, #tpu.memory_space<hbm>>
    %dma_wait3A_346 = arith.constant 0 : i32
    %dma_wait3A_347 = tpu.memref_slice %arg5[%mul3A_338, %dma_wait3A_346] : memref<204800x128xf32, #tpu.memory_space<hbm>> -> memref<100x128xf32, #tpu.memory_space<hbm>>
    %dma_wait3A_348 = arith.constant 0 : i32
    %dma_wait3A_349 = arith.constant 0 : i32
    %dma_wait3A_350 = tpu.memref_slice %arg8[%dma_wait3A_339, %dma_wait3A_348, %dma_wait3A_349] : memref<8x100x128xf32, #tpu.memory_space<vmem>> -> memref<1x100x128xf32, #tpu.memory_space<vmem>>
    %dma_wait3A_351 = tpu.memref_squeeze %dma_wait3A_350 : memref<1x100x128xf32, #tpu.memory_space<vmem>> -> memref<100x128xf32, #tpu.memory_space<vmem>>
    tpu.wait_dma2 semaphore(%arg23 : memref<!tpu.dma_semaphore, #tpu.memory_space<semaphore_mem>>) src(%dma_wait3A_351 : memref<100x128xf32, #tpu.memory_space<vmem>>) dst(%dma_wait3A_347 : memref<100x128xf32, #tpu.memory_space<hbm>>)
    %add3A_352 = arith.constant 2016 : i32
    %add3A_353 = arith.addi %add3A_352, %add3A : i32
    %mul3A_354 = arith.constant 100 : i32
    %mul3A_355 = arith.muli %add3A_353, %mul3A_354 : i32
    %dma_wait3A_356 = arith.constant 7 : i32
    %dma_wait3A_357 = arith.constant 0 : i32
    %dma_wait3A_358 = arith.constant 0 : i32
    %dma_wait3A_359 = tpu.memref_slice %arg8[%dma_wait3A_356, %dma_wait3A_357, %dma_wait3A_358] : memref<8x100x128xf32, #tpu.memory_space<vmem>> -> memref<1x100x128xf32, #tpu.memory_space<vmem>>
    %dma_wait3A_360 = tpu.memref_squeeze %dma_wait3A_359 : memref<1x100x128xf32, #tpu.memory_space<vmem>> -> memref<100x128xf32, #tpu.memory_space<vmem>>
    %dma_wait3A_361 = arith.constant 0 : i32
    %dma_wait3A_362 = tpu.memref_slice %arg5[%mul3A_355, %dma_wait3A_361] : memref<204800x128xf32, #tpu.memory_space<hbm>> -> memref<100x128xf32, #tpu.memory_space<hbm>>
    %dma_wait3A_363 = arith.constant 0 : i32
    %dma_wait3A_364 = tpu.memref_slice %arg5[%mul3A_355, %dma_wait3A_363] : memref<204800x128xf32, #tpu.memory_space<hbm>> -> memref<100x128xf32, #tpu.memory_space<hbm>>
    %dma_wait3A_365 = arith.constant 0 : i32
    %dma_wait3A_366 = arith.constant 0 : i32
    %dma_wait3A_367 = tpu.memref_slice %arg8[%dma_wait3A_356, %dma_wait3A_365, %dma_wait3A_366] : memref<8x100x128xf32, #tpu.memory_space<vmem>> -> memref<1x100x128xf32, #tpu.memory_space<vmem>>
    %dma_wait3A_368 = tpu.memref_squeeze %dma_wait3A_367 : memref<1x100x128xf32, #tpu.memory_space<vmem>> -> memref<100x128xf32, #tpu.memory_space<vmem>>
    tpu.wait_dma2 semaphore(%arg24 : memref<!tpu.dma_semaphore, #tpu.memory_space<semaphore_mem>>) src(%dma_wait3A_368 : memref<100x128xf32, #tpu.memory_space<vmem>>) dst(%dma_wait3A_364 : memref<100x128xf32, #tpu.memory_space<hbm>>)
    return
  }
}

</mosaic_0001>

<sc_bundles>
// kernel: kernel.3.cloned.1.call-start
scs
__scs_entry_jumppad:
0x0: {  	(pc) =	sbr.rel $0x88, $3  }
0x1: {  	(tag) =	ssettag $0x0;
	lr =	simm.s32 $0x1  }
0x2: {  	[smem:$0x3F9E] =	sst lr;
	_ =	strace $0xD0000000  }
0x3: {  	_ = 	snop  }
0x4: {  	_ = 	snop  }
0x5: {  	_ = 	snop  }
0x6: {  	_ = 	snop  }
0x7: {  	_ = 	snop  }
__scs_overlays_trampoline_lowered:
0x8: {  	[smem:$0x3FAD] =	sst s0  }
0x9: {  	[smem:$0x3FAE] =	sst s1  }
0xa: {  	[smem:$0x3FAF] =	sst s2  }
0xb: {  	[smem:$0x3FB0] =	sst s3  }
0xc: {  	[smem:$0x3FB1] =	sst s4  }
0xd: {  	[smem:$0x3FB2] =	sst s5  }
0xe: {  	[smem:$0x3FB3] =	sst s6  }
0xf: {  	[smem:$0x3FB4] =	sst s7  }
0x10: {  	[smem:$0x3FB5] =	sst s8  }
0x11: {  	[smem:$0x3FB6] =	sst s9;
	s0 =	simm.s32 @!p0 $0x0  }
0x12: {  	s1 =	sld [smem:$0x3F9C];
	s0 =	simm.s32 @p0 $0x1  }
0x13: {  	[smem:$0x3FB7] =	sst s0;
	s0 =	simm.s32 @!p1 $0x0  }
0x14: {  	s2 =	sld [smem:$0x3F9B];
	s0 =	simm.s32 @p1 $0x1  }
0x15: {  	[smem:$0x3FB8] =	sst s0;
	s0 =	simm.s32 @!p2 $0x0  }
0x16: {  	s3 =	sld [smem:$0x3FDB];
	s0 =	simm.s32 @p2 $0x1  }
0x17: {  	s4 =	simm.s32 $0x1BF5;
	[smem:$0x3FBA] =	sst s0  }
0x18: {  	s0 =	sld [smem:$0x3F9D];
	_ =	swait.ge [sflag:s4], $0x0  }
0x19: {  	s7 =	sld [smem:$0x3F9E]  }
0x1a: {  	s8 =	sadd.s32 $0xFFFFE003, lr  }
0x1b: {  	s9 =	sadd.s32 $0xFFFFFEF7, lr;
	s5 =	simm.s32 $0xFFFFFFFF;
	p2 =	slt.u32 s8, $0xFFFFF086  }
0x1c: {  	p1 =	slt.u32 s9, $0xF7A;
	s5 =	simm.s32 @!p2 $0x0  }
0x1d: {  	s5 =	simm.s32 @p1 $0x1;
	p0 =	seq.s32 s7, s2  }
0x1e: {  	s7 =	smul.u32 @!p0 $0xF7A, s2;
	p2 =	seq.s32 @!p0 s5, $0x0  }
0x1f: {  	s9 =	smul.u32 $0xF7A, s1;
	s8 =	simm.s32 @!p0 $0x1BF5;
	p2 =	por !p2, p0  }
0x20: {  	[sflag:s8] =	ssyncset.s32 @!p0 $0xFFFFF086;
	s6 =	sadd.s32 @!p0 s3, s7;
	s7 =	simm.s32 @!p0 $0x108  }
0x21: {  	s3 =	sadd.s32 s3, s9;
	s6 =	sadd.s32 @!p0 $0x88, s6;
	s7 =	simm.s32 @p2 $0x1082  }
0x22: {  	[simem:s7], [sflag:s8] =	dma.local @!p0 [hbm:s6], $0xF7A  }
0x23: {  	s9 =	sor.u32 $0xD0000000, s2;
	s6 =	simm.s32 $0x108;
	_ =	swait.ge @!p0 [sflag:s8], $0x0  }
0x24: {  	s3 =	sadd.s32 $0x88, s3;
	s6 =	simm.s32 @!p1 $0x1082;
	[sflag:s4] =	ssyncset.s32 $0xFFFFF086  }
0x25: {  	[simem:s6], [sflag:s4] =	dma.local [hbm:s3], $0xF7A  }
0x26: {  	[smem:$0x3F9E] =	sst s1;
	(tag) =	ssettag s2;
	_ =	strace s9  }
0x27: {  	s1 =	sld [smem:$0x3FAE]  }
0x28: {  	s2 =	sld [smem:$0x3FAF]  }
0x29: {  	s4 =	sld [smem:$0x3FB1]  }
0x2a: {  	p0 =	seq.s32 s5, $0x0;
	s5 =	sld [smem:$0x3FB2]  }
0x2b: {  	s6 =	sld [smem:$0x3FB3]  }
0x2c: {  	s7 =	sld [smem:$0x3FB4]  }
0x2d: {  	s3 =	simm.s32 $0x108;
	s8 =	sld [smem:$0x3FB5]  }
0x2e: {  	s3 =	simm.s32 @!p0 $0x1082;
	s9 =	sld [smem:$0x3FB6]  }
0x2f: {  	lr =	sadd.s32 s0, s3;
	s0 =	sld [smem:$0x3FAD]  }
0x30: {  	s3 =	sld [smem:$0x3FB0]  }
0x31: {  	[smem:$0x3FB9] =	sst s10  }
0x32: {  	s10 =	sld [smem:$0x3FB7];
	_ =	sdelay $0x3  }
0x33: {  	p0 =	seq.s32 s10, $0x1;
	s10 =	sld [smem:$0x3FB9];
	_ =	sdelay $0x3  }
0x34: {  	[smem:$0x3FB9] =	sst s10  }
0x35: {  	s10 =	sld [smem:$0x3FB8];
	_ =	sdelay $0x3  }
0x36: {  	p1 =	seq.s32 s10, $0x1;
	s10 =	sld [smem:$0x3FB9];
	_ =	sdelay $0x3  }
0x37: {  	[smem:$0x3FB9] =	sst s10  }
0x38: {  	s10 =	sld [smem:$0x3FBA]  }
0x39: {  	_ = 	snop;
	(pc) =	sbr.ind lr, $3  }
0x3a: {  	_ = 	snop  }
0x3b: {  	_ = 	snop  }
0x3c: {  	p2 =	seq.s32 s10, $0x1;
	s10 =	sld [smem:$0x3FB9]  }
0x3d: {  	_ =	shalt  }
0x3e: {  	_ =	shalt  }
0x3f: {  	_ =	shalt  }
0x40: {  	_ =	shalt  }
0x41: {  	_ =	shalt  }
0x42: {  	_ =	shalt  }
0x43: {  	_ =	shalt  }
0x44: {  	_ =	shalt  }
0x45: {  	_ =	shalt  }
0x46: {  	_ =	shalt  }
0x47: {  	_ =	shalt  }
0x48: {  	_ =	shalt  }
0x49: {  	_ =	shalt  }
0x4a: {  	_ =	shalt  }
0x4b: {  	_ =	shalt  }
0x4c: {  	_ =	shalt  }
0x4d: {  	_ =	shalt  }
0x4e: {  	_ =	shalt  }
0x4f: {  	_ =	shalt  }
0x50: {  	_ =	shalt  }
0x51: {  	_ =	shalt  }
0x52: {  	_ =	shalt  }
0x53: {  	_ =	shalt  }
0x54: {  	_ =	shalt  }
0x55: {  	_ =	shalt  }
0x56: {  	_ =	shalt  }
0x57: {  	_ =	shalt  }
0x58: {  	_ =	shalt  }
0x59: {  	_ =	shalt  }
0x5a: {  	_ =	shalt  }
0x5b: {  	_ =	shalt  }
0x5c: {  	_ =	shalt  }
0x5d: {  	_ =	shalt  }
0x5e: {  	_ =	shalt  }
0x5f: {  	_ =	shalt  }
0x60: {  	_ =	shalt  }
0x61: {  	_ =	shalt  }
0x62: {  	_ =	shalt  }
0x63: {  	_ =	shalt  }
0x64: {  	_ =	shalt  }
0x65: {  	_ =	shalt  }
0x66: {  	_ =	shalt  }
0x67: {  	_ =	shalt  }
0x68: {  	_ =	shalt  }
0x69: {  	_ =	shalt  }
0x6a: {  	_ =	shalt  }
0x6b: {  	_ =	shalt  }
0x6c: {  	_ =	shalt  }
0x6d: {  	_ =	shalt  }
0x6e: {  	_ =	shalt  }
0x6f: {  	_ =	shalt  }
0x70: {  	_ =	shalt  }
0x71: {  	_ =	shalt  }
0x72: {  	_ =	shalt  }
0x73: {  	_ =	shalt  }
0x74: {  	_ =	shalt  }
0x75: {  	_ =	shalt  }
0x76: {  	_ =	shalt  }
0x77: {  	_ =	shalt  }
0x78: {  	_ =	shalt  }
0x79: {  	_ =	shalt  }
0x7a: {  	_ =	shalt  }
0x7b: {  	_ =	shalt  }
0x7c: {  	_ =	shalt  }
0x7d: {  	_ =	shalt  }
0x7e: {  	_ =	shalt  }
0x7f: {  	_ =	shalt  }
0x80: {  	_ =	shalt  }
0x81: {  	_ =	shalt  }
0x82: {  	_ =	shalt  }
0x83: {  	_ =	shalt  }
0x84: {  	_ =	shalt  }
0x85: {  	_ =	shalt  }
0x86: {  	_ =	shalt  }
0x87: {  	_ =	shalt  }
.Lfunc_end0:
.L_simem_size_0:
called_computation_lowered:
.L_overlay_start_0:
0x88: {  	s2 =	sld [smem:$0x3FD9]  }
0x89: {  	s3 =	sld [smem:$0x3FFE];
	_ =	sdelay $0x1  }
0x8a: {  	s1 =	srdreg.scid  }
0x8b: {  	s0 =	sand.u32 $0x1, s1  }
0x8c: {  	s17 =	sshll.u32 s0, $0xA;
	s2 =	sadd.s32 s3, s2  }
0x8d: {  	s2 =	sadd.s32 s2, s17  }
0x8e: {  	[smem:$0x3FC5] =	sst s2  }
0x8f: {  	_ = 	snop  }
0x90: {  	s2 =	sld [smem:$0x3FC8]  }
0x91: {  	s18 =	sld [smem:$0x3FC7]  }
0x92: {  	s4 =	sld [smem:$0x3FD0];
	(tm) =	ssettm $0x1  }
0x93: {  	s5 =	sld [smem:$0x3FFB];
	_ =	sdelay $0x3  }
0x94: {  	_ =	strace s5  }
0x95: {  	s5 =	sld [smem:$0x3FFC];
	_ =	sdelay $0x3  }
0x96: {  	_ =	strace s5  }
0x97: {  	s5 =	sld [smem:$0x3FFD];
	_ =	sdelay $0x3  }
0x98: {  	_ =	strace s5  }
0x99: {  	_ =	strace $0x8FFFFFFF  }
0x9a: {  	s19 =	sld [smem:$0x3FDB];
	_ =	sdelay $0x1  }
0x9b: {  	s6 =	simm.s32 $_scs_section_size  }
0x9c: {  	s7 =	simm.s32 $_size__tile_overlayer_lowered;
	s8 =	simm.s32 $_tile_overlayer_lowered  }
0x9d: {  	s22 =	simm.s32 $0x1BFF;
	s21 =	sshll.u32 s8, $0x1;
	s5 =	sadd.s32 s6, s19  }
0x9e: {  	s9 =	simm.s32 $0x0;
	s20 =	sshll.u32 s7, $0x1;
	s7 =	sadd.s32 s21, s5  }
0x9f: {  	[timem:s9], [sflag:s22] =	dma.local [hbm:s7], s20  }
0xa0: {  	_ =	swait.ge [sflag:s22], s20  }
0xa1: {  	s6 =	ssub.s32 $0x0, s20;
	[sflag:s22] =	ssyncset.done $0x0  }
0xa2: {  	[sflag:s22] =	ssyncadd.s32 s6;
	_ =	sdelay $0x1  }
0xa3: {  	s23 =	simm.s32 $0x1B8B  }
0xa4: {  	_ =	swait.ge [sflag:s23], $0x1  }
0xa5: {  	[sflag:s23] =	ssyncset.done $0x0  }
0xa6: {  	s25 =	simm.s32 $0x1B8E;
	s24 =	sld [smem:$0x3FFE];
	[sflag:s23] =	ssyncadd.s32 $0xFFFFFFFF  }
0xa7: {  	s26 =	simm.s32 $execute0_lowered;
	[smem:$0x3FD2] =	sst s25  }
0xa8: {  	s7 =	sshll.u32 s26, $0x1;
	_ =	strace $0x80000046;
	[dreg:$0x1] =	wrdreg $0xFFFFFFFF  }
0xa9: {  	s28 =	simm.s32 $_size_execute0_lowered;
	s5 =	sadd.s32 s5, s7;
	[dreg:$0x0] =	wrdreg $0x0  }
0xaa: {  	s7 =	sshll.u32 s28, $0x1;
	[dreg:$0x2] =	wrdreg s5  }
0xab: {  	[dreg:$0x3] =	wrdreg s7  }
0xac: {  	[dreg:$0x4] =	wrdreg $0xC0  }
0xad: {  	_ =	task [dreg:s9], $0x5FFFF  }
0xae: {  	[dreg:$0x1] =	wrdreg $0xFFFFFFFF  }
0xaf: {  	[dreg:$0x0] =	wrdreg $0x60  }
0xb0: {  	[dreg:$0x2] =	wrdreg s24  }
0xb1: {  	[dreg:$0x3] =	wrdreg s2  }
0xb2: {  	[dreg:$0x4] =	wrdreg s18  }
0xb3: {  	[dreg:$0x5] =	wrdreg s4  }
0xb4: {  	[dreg:$0x6] =	wrdreg $0x1A000  }
0xb5: {  	[dreg:$0x7] =	wrdreg $0x9  }
0xb6: {  	_ =	task.clear_ibuf [dreg:s9], $0x8FFFF;
	_ =	strace $0x90000046  }
0xb7: {  	s29 =	simm.s32 $0x9;
	_ =	strace $0x80000048  }
0xb8: {  	_ =	swait.ge [sflag:s29], $0x1  }
0xb9: {  	[sflag:s29] =	ssyncadd.s32 $0xFFFFFFFF  }
0xba: {  	_ =	strace $0x90000048  }
0xbb: {  	_ =	sfence  }
0xbc: {  	s30 =	sld [smem:$0x0];
	_ =	sdelay $0x2  }
0xbd: {  	s31 =	sshll.u32 s1, $0xD;
	s1 =	sshrl.u32 s1, $0x2  }
0xbe: {  	s3 =	sand.u32 $0x4000, s31;
	s1 =	sadd.s32 s1, s30  }
0xbf: {  	s0 =	sor.u32 s3, s0;
	s1 =	sshll.u32 s1, $0x11  }
0xc0: {  	s0 =	sor.u32 s1, s0  }
0xc1: {  	s0 =	sadd.s32 $0x8F2B, s0  }
0xc2: {  	[sflag:s0] =	ssyncadd.remote.s32 $0x1  }
0xc3: {  	_ =	sfence.sel $0xFFFF  }
0xc4: {  	[dreg:$0x0] =	wrdreg $0xFFFFFFFF;
	(pc) =	sbr.abs _section_cstart, $3  }
0xc5: {  	[dreg:$0x1] =	wrdreg $0xFFFFFFFF  }
0xc6: {  	_ =	task.clear_ibuf [dreg:s9], $0x2FFFF;
	_ =	strace $0x9FFFFFFF  }
0xc7: {  	(tm) =	ssettm $0x7FFFFFFF  }
tec
execute0_lowered:
.L_overlay_start_1:
0x0: {  	(tag) =	ssettag $0x1  }
0x1: {  	s1 =	rddreg [dreg:$0x0]  }
0x2: {  	s0 =	rddreg [dreg:$0x1];
	s2 =	srdreg.scid  }
0x3: {  	s3 =	stileid.u32;
	s5 =	rddreg [dreg:$0x4]  }
0x4: {  	s7 =	simm.s32 $0x3200;
	s11 =	simm.s32 $0xB640;
	s18 =	simm.s32 $0x11A40  }
0x5: {  	s30 =	simm.s32 $0x14C40;
	s31 =	simm.s32 $0x15;
	s28 =	simm.s32 $0x4  }
0x6: {  	s12 =	simm.s32 $0x6;
	s13 =	simm.s32 $0x7;
	s8 =	smul.u32 $0x6400, s3  }
0x7: {  	s2 =	sand.u32 $0x1, s2;
	s4 =	sshll.u32 s3, $0x1;
	s23 =	smul.u32 $0xC80, s3  }
0x8: {  	s19 =	simm.s32 $0xB640;
	s6 =	sor.u32 s2, s4;
	s10 =	smul.u32 $0x3200, s2  }
0x9: {  	s20 =	ssub.s32 $0x2, s2;
	p0 =	seq.s32 s2, $0x1;
	s2 =	smul.u32 $0x640, s2  }
0xa: {  	s29 =	simm.s32 $0x11A40;
	s4 =	simm.s32 $0x0;
	s6 =	smul.u32 $0x340, s6  }
0xb: {  	[smem:$0x7FF] =	sst s4;
	s9 =	sshrl.u32 s20, $0x1;
	s7 =	simm.s32 @!p0 $0x0  }
0xc: {  	p0 =	sne.s32 s3, $0x0;
	s3 =	simm.s32 $0x16;
	_ =	strace $0x80000047  }
0xd: {  	s9 =	ssub.s32 s20, s9;
	s22 =	sadd.s32 s10, s8;
	s26 =	sadd.s32 s2, s23  }
0xe: {  	s2 =	simm.s32 $0x2;
	s23 =	simm.s32 $0x3;
	s20 =	simm.s32 $0x8  }
0xf: {  	s10 =	simm.s32 $0x0;
	s1 =	sadd.s32 s6, s1;
	s6 =	sadd.s32 s7, s5  }
0x10: {  	s21 =	smax.u32 s9, $0x1;
	s8 =	sadd.s32 $0x12C000, s22;
	s24 =	sadd.s32 $0xC8000, s22  }
0x11: {  	[dreg:$0xb] =	wrdreg s26;
	s26 =	simm.s32 $0xE840;
	s7 =	simm.s32 $0x5  }
0x12: {  	s1 =	sadd.s32 $0x400, s1;
	[dreg:$0x7] =	wrdreg s21;
	s8 =	sshrl.u32 s8, $0x3  }
.Ltmp0:
0x13: {  	s25 =	sshrl.u32 s24, $0x3;
	[dreg:$0x6] =	wrdreg s1;
	(pc) =	sbr.rel .LBB2_1-.Ltmp0, $4  }
0x14: {  	s21 =	simm.s32 $0x64;
	[dreg:$0x8] =	wrdreg s8;
	s1 =	sadd.s32 $0x64000, s22  }
0x15: {  	s24 =	simm.s32 $0xE;
	[dreg:$0x9] =	wrdreg s25;
	s1 =	sshrl.u32 s1, $0x3  }
0x16: {  	s25 =	simm.s32 $0x17;
	[dreg:$0xa] =	wrdreg s1;
	s1 =	sshrl.u32 @!p0 s5, $0x3  }
0x17: {  	s5 =	simm.s32 $0x18;
	[dreg:$0xc] =	wrdreg s1;
	s1 =	simm.s32 $0x17E40  }
.LBB2_4:
0x18: {  	s8 =	simm.s32 $0x9  }
0x19: {  	_ =	swait.ge [sflag:s8], $0x3200  }
0x1a: {  	[sflag:s8] =	ssyncset.done $0x0  }
0x1b: {  	s14 =	simm.s32 $0xA;
	[sflag:s8] =	ssyncadd.s32 $0xFFFFCE00  }
0x1c: {  	_ =	swait.ge [sflag:s14], $0x3200  }
0x1d: {  	[sflag:s14] =	ssyncset.done $0x0  }
0x1e: {  	s15 =	simm.s32 $0xB;
	[sflag:s14] =	ssyncadd.s32 $0xFFFFCE00  }
0x1f: {  	_ =	swait.ge [sflag:s15], $0x3200  }
0x20: {  	[sflag:s15] =	ssyncset.done $0x0  }
0x21: {  	s16 =	simm.s32 $0xC;
	[sflag:s15] =	ssyncadd.s32 $0xFFFFCE00  }
0x22: {  	_ =	swait.ge [sflag:s16], $0x3200  }
0x23: {  	[sflag:s16] =	ssyncset.done $0x0  }
0x24: {  	s17 =	simm.s32 $0xD;
	[sflag:s16] =	ssyncadd.s32 $0xFFFFCE00  }
0x25: {  	_ =	swait.ge [sflag:s17], $0x3200  }
0x26: {  	[sflag:s17] =	ssyncset.done $0x0  }
0x27: {  	[sflag:s17] =	ssyncadd.s32 $0xFFFFCE00  }
0x28: {  	_ =	swait.ge [sflag:s24], $0x3200  }
0x29: {  	[sflag:s24] =	ssyncset.done $0x0  }
0x2a: {  	s18 =	simm.s32 $0xF;
	[sflag:s24] =	ssyncadd.s32 $0xFFFFCE00  }
0x2b: {  	_ =	swait.ge [sflag:s18], $0x3200  }
0x2c: {  	[sflag:s18] =	ssyncset.done $0x0  }
0x2d: {  	s9 =	simm.s32 $0x10;
	[sflag:s18] =	ssyncadd.s32 $0xFFFFCE00  }
0x2e: {  	_ =	swait.ge [sflag:s9], $0x3200  }
0x2f: {  	s10 =	rddreg [dreg:$0xd]  }
0x30: {  	s22 =	rddreg [dreg:$0x7];
	s10 =	sadd.s32 $0x1, s10  }
0x31: {  	p1 =	sne.s32 s10, s22  }
.Ltmp1:
0x32: {  	_ = 	snop;
	(pc) =	sbr.rel @!p1 .LBB2_5-.Ltmp1, $3  }
0x33: {  	_ =	sdelay $0x1  }
0x34: {  	[sflag:s9] =	ssyncset.done $0x0  }
0x35: {  	s11 =	simm.s32 $0xB640;
	s18 =	simm.s32 $0x11A40;
	[sflag:s9] =	ssyncadd.s32 $0xFFFFCE00  }
.LBB2_1:
0x36: {  	[dreg:$0xd] =	wrdreg s10  }
0x37: {  	s8 =	rddreg [dreg:$0x6]  }
0x38: {  	s9 =	rddreg [dreg:$0xc]  }
0x39: {  	[tilespmem:s4], [sflag:$0x19] =	stream.linear.gather [hbm4b:s8+s4], $0x1A00, $0x38;
	[tilespmem:$0x1B040] =	vst v63  }
0x3a: {  	s14 =	simm.s32 @!p0 $0x1C1A;
	s8 =	rddreg [dreg:$0x2]  }
0x3b: {  	[spmem:s9], [sflag:s14] =	dma.local @!p0 [hbm:s8], $0xC80  }
0x3c: {  	s14 =	simm.s32 @!p0 $0x1A  }
0x3d: {  	_ =	swait.ge @!p0 [sflag:s14], $0xC80  }
0x3e: {  	[sflag:s14] =	ssyncset.done @!p0 $0x0  }
0x3f: {  	[sflag:s14] =	ssyncadd.s32 @!p0 $0xFFFFF380  }
0x40: {  	s15 =	simm.s32 $0x19;
	[bflag:$0x0] =	sbarrier.arrive $0xFFFF  }
0x41: {  	_ =	swait.ge [sflag:s15], $0x1A00  }
0x42: {  	[sflag:s15] =	ssyncset.done $0x0  }
0x43: {  	s16 =	simm.s32 $0x2040;
	[sflag:s15] =	ssyncadd.s32 $0xFFFFE600  }
0x44: {  	[tilespmem:s16], [sflag:$0x11] =	stream.linear.gather [spmem:s6], $0x3200, $0x38;
	[tilespmem:$0x1B040] =	vst v63  }
0x45: {  	s17 =	simm.s32 $0x5240  }
0x46: {  	[tilespmem:s17], [sflag:$0x12] =	stream.linear.gather [spmem:s6], $0x3200, $0x38;
	[tilespmem:$0x1B040] =	vst v63  }
0x47: {  	s22 =	simm.s32 $0x8440  }
0x48: {  	[tilespmem:s22], [sflag:$0x13] =	stream.linear.gather [spmem:s6], $0x3200, $0x38;
	[tilespmem:$0x1B040] =	vst v63  }
0x49: {  	_ = 	snop  }
0x4a: {  	[tilespmem:s11], [sflag:$0x14] =	stream.linear.gather [spmem:s6], $0x3200, $0x38;
	[tilespmem:$0x1B040] =	vst v63  }
0x4b: {  	_ = 	snop  }
0x4c: {  	[tilespmem:s26], [sflag:$0x15] =	stream.linear.gather [spmem:s6], $0x3200, $0x38;
	[tilespmem:$0x1B040] =	vst v63  }
0x4d: {  	s26 =	simm.s32 $0x11  }
0x4e: {  	[tilespmem:s18], [sflag:$0x16] =	stream.linear.gather [spmem:s6], $0x3200, $0x38;
	[tilespmem:$0x1B040] =	vst v63  }
0x4f: {  	_ =	swait.ge [sflag:s26], $0x3200  }
0x50: {  	[sflag:s26] =	ssyncset.done $0x0  }
0x51: {  	s14 =	simm.s32 $0x12;
	[sflag:s26] =	ssyncadd.s32 $0xFFFFCE00  }
0x52: {  	[tilespmem:s16], [sflag:$0x1] =	stream.indirect.gather.add.f32 [hbm:s0], $0x80, s4, s21, $0xb8;
	[tilespmem:$0x1B040] =	vst v63  }
0x53: {  	_ =	swait.ge [sflag:s14], $0x3200  }
0x54: {  	[sflag:s14] =	ssyncset.done $0x0  }
0x55: {  	s15 =	simm.s32 $0x68;
	s16 =	simm.s32 $0x13;
	[sflag:s14] =	ssyncadd.s32 $0xFFFFCE00  }
0x56: {  	[tilespmem:s17], [sflag:$0x2] =	stream.indirect.gather.add.f32 [hbm:s0], $0x80, s15, s21, $0xb8;
	[tilespmem:$0x1B040] =	vst v63  }
0x57: {  	_ =	swait.ge [sflag:s16], $0x3200  }
0x58: {  	[sflag:s16] =	ssyncset.done $0x0  }
0x59: {  	s17 =	simm.s32 $0xD0;
	[sflag:s16] =	ssyncadd.s32 $0xFFFFCE00  }
0x5a: {  	[tilespmem:s22], [sflag:$0x3] =	stream.indirect.gather.add.f32 [hbm:s0], $0x80, s17, s21, $0xb8;
	[tilespmem:$0x1B040] =	vst v63  }
0x5b: {  	s22 =	simm.s32 $0x14  }
0x5c: {  	_ =	swait.ge [sflag:s22], $0x3200  }
0x5d: {  	[sflag:s22] =	ssyncset.done $0x0  }
0x5e: {  	s26 =	simm.s32 $0x138;
	[sflag:s22] =	ssyncadd.s32 $0xFFFFCE00  }
0x5f: {  	[tilespmem:s11], [sflag:$0x4] =	stream.indirect.gather.add.f32 [hbm:s0], $0x80, s26, s21, $0xb8;
	[tilespmem:$0x1B040] =	vst v63  }
0x60: {  	s14 =	simm.s32 $0x0;
	s22 =	rddreg [dreg:$0x3]  }
.LBB2_2:
0x61: {  	s8 =	simm.s32 $0x1  }
0x62: {  	s9 =	simm.s32 $0x2040;
	_ =	swait.ge [sflag:s8], $0x3200  }
0x63: {  	p1 =	seq.s32 s14, $0x0;
	[sflag:s8] =	ssyncset.done $0x0;
	s26 =	rddreg [dreg:$0xb]  }
0x64: {  	s15 =	simm.s32 @!p1 $0xF;
	[sflag:s8] =	ssyncadd.s32 $0xFFFFCE00;
	s16 =	sadd.s32 s22, s26  }
0x65: {  	[hbm4b:s16+s4] =	stream.linear.scatter [tilespmem:s9], [sflag:$0x9], $0x3200, $0x38;
	[tilespmem:$0x1B040] =	vst v63  }
0x66: {  	_ =	swait.ge @!p1 [sflag:s15], $0x3200  }
0x67: {  	[sflag:s15] =	ssyncset.done @!p1 $0x0  }
0x68: {  	[sflag:s15] =	ssyncadd.s32 @!p1 $0xFFFFCE00  }
0x69: {  	[tilespmem:s30], [sflag:$0x17] =	stream.linear.gather [spmem:s6], $0x3200, $0x38;
	[tilespmem:$0x1B040] =	vst v63  }
0x6a: {  	_ =	swait.ge [sflag:s31], $0x3200  }
0x6b: {  	s15 =	sshra.s32 s14, $0x2;
	[sflag:s31] =	ssyncset.done $0x0  }
0x6c: {  	s17 =	simm.s32 $0xE840;
	s10 =	sadd.s32 $0x1A0, s15;
	[sflag:s31] =	ssyncadd.s32 $0xFFFFCE00  }
0x6d: {  	[tilespmem:s17], [sflag:$0x5] =	stream.indirect.gather.add.f32 [hbm:s0], $0x80, s10, s21, $0xb8;
	[tilespmem:$0x1B040] =	vst v63  }
0x6e: {  	_ =	swait.ge [sflag:s2], $0x3200  }
0x6f: {  	[sflag:s2] =	ssyncset.done $0x0;
	s26 =	rddreg [dreg:$0xa]  }
0x70: {  	s9 =	simm.s32 $0x5240;
	[sflag:s2] =	ssyncadd.s32 $0xFFFFCE00;
	s8 =	sadd.s32 s22, s26  }
0x71: {  	[hbm4b:s8+s4] =	stream.linear.scatter [tilespmem:s9], [sflag:$0xA], $0x3200, $0x38;
	[tilespmem:$0x1B040] =	vst v63  }
0x72: {  	s8 =	simm.s32 @!p1 $0x10  }
0x73: {  	_ =	swait.ge @!p1 [sflag:s8], $0x3200  }
0x74: {  	[sflag:s8] =	ssyncset.done @!p1 $0x0  }
0x75: {  	[sflag:s8] =	ssyncadd.s32 @!p1 $0xFFFFCE00  }
0x76: {  	[tilespmem:s1], [sflag:$0x18] =	stream.linear.gather [spmem:s6], $0x3200, $0x38;
	[tilespmem:$0x1B040] =	vst v63  }
0x77: {  	_ =	swait.ge [sflag:s3], $0x3200  }
0x78: {  	[sflag:s3] =	ssyncset.done $0x0  }
0x79: {  	s9 =	sadd.s32 $0x208, s15;
	[sflag:s3] =	ssyncadd.s32 $0xFFFFCE00  }
0x7a: {  	[tilespmem:s18], [sflag:$0x6] =	stream.indirect.gather.add.f32 [hbm:s0], $0x80, s9, s21, $0xb8;
	[tilespmem:$0x1B040] =	vst v63  }
0x7b: {  	_ =	swait.ge [sflag:s23], $0x3200  }
0x7c: {  	p1 =	seq.s32 s14, $0x5B00;
	[sflag:s23] =	ssyncset.done $0x0;
	s10 =	rddreg [dreg:$0x9]  }
0x7d: {  	s18 =	simm.s32 $0x8440;
	[sflag:s23] =	ssyncadd.s32 $0xFFFFCE00;
	s8 =	sadd.s32 s22, s10  }
0x7e: {  	[hbm4b:s8+s4] =	stream.linear.scatter [tilespmem:s18], [sflag:$0xB], $0x3200, $0x38;
	[tilespmem:$0x1B040] =	vst v63  }
0x7f: {  	s8 =	simm.s32 @!p1 $0x9  }
0x80: {  	_ =	swait.ge @!p1 [sflag:s8], $0x3200  }
0x81: {  	[sflag:s8] =	ssyncset.done @!p1 $0x0  }
0x82: {  	[sflag:s8] =	ssyncadd.s32 @!p1 $0xFFFFCE00;
	s8 =	simm.s32 @!p1 $0x2040  }
0x83: {  	[tilespmem:s8], [sflag:$0x11] =	stream.linear.gather @!p1 [spmem:s6], $0x3200, $0x38;
	[tilespmem:$0x1B040] =	vst v63  }
0x84: {  	_ =	swait.ge [sflag:s25], $0x3200  }
0x85: {  	[sflag:s25] =	ssyncset.done $0x0  }
0x86: {  	s26 =	sadd.s32 $0x270, s15;
	[sflag:s25] =	ssyncadd.s32 $0xFFFFCE00  }
0x87: {  	[tilespmem:s30], [sflag:$0x7] =	stream.indirect.gather.add.f32 [hbm:s0], $0x80, s26, s21, $0xb8;
	[tilespmem:$0x1B040] =	vst v63  }
0x88: {  	_ =	swait.ge [sflag:s28], $0x3200  }
0x89: {  	[sflag:s28] =	ssyncset.done $0x0;
	s10 =	rddreg [dreg:$0x8]  }
0x8a: {  	[sflag:s28] =	ssyncadd.s32 $0xFFFFCE00;
	s9 =	sadd.s32 s22, s10  }
0x8b: {  	[hbm4b:s9+s4] =	stream.linear.scatter [tilespmem:s11], [sflag:$0xC], $0x3200, $0x38;
	[tilespmem:$0x1B040] =	vst v63  }
0x8c: {  	s9 =	simm.s32 @!p1 $0xA  }
0x8d: {  	_ =	swait.ge @!p1 [sflag:s9], $0x3200  }
0x8e: {  	[sflag:s9] =	ssyncset.done @!p1 $0x0  }
0x8f: {  	[sflag:s9] =	ssyncadd.s32 @!p1 $0xFFFFCE00;
	s9 =	simm.s32 @!p1 $0x5240  }
0x90: {  	[tilespmem:s9], [sflag:$0x12] =	stream.linear.gather @!p1 [spmem:s6], $0x3200, $0x38;
	[tilespmem:$0x1B040] =	vst v63  }
0x91: {  	_ =	swait.ge [sflag:s5], $0x3200  }
0x92: {  	[sflag:s5] =	ssyncset.done $0x0  }
0x93: {  	s10 =	sadd.s32 $0x2D8, s15;
	[sflag:s5] =	ssyncadd.s32 $0xFFFFCE00  }
0x94: {  	[tilespmem:s1], [sflag:$0x8] =	stream.indirect.gather.add.f32 [hbm:s0], $0x80, s10, s21, $0xb8;
	[tilespmem:$0x1B040] =	vst v63  }
0x95: {  	_ =	swait.ge [sflag:s7], $0x3200  }
0x96: {  	[sflag:s7] =	ssyncset.done $0x0  }
0x97: {  	s18 =	sadd.s32 $0x32000, s16;
	s10 =	simm.s32 @!p1 $0xB;
	[sflag:s7] =	ssyncadd.s32 $0xFFFFCE00  }
0x98: {  	[hbm4b:s18+s4] =	stream.linear.scatter [tilespmem:s17], [sflag:$0xD], $0x3200, $0x38;
	[tilespmem:$0x1B040] =	vst v63  }
0x99: {  	_ =	swait.ge @!p1 [sflag:s10], $0x3200  }
0x9a: {  	[sflag:s10] =	ssyncset.done @!p1 $0x0  }
0x9b: {  	s11 =	simm.s32 @!p1 $0x11;
	[sflag:s10] =	ssyncadd.s32 @!p1 $0xFFFFCE00;
	s10 =	simm.s32 @!p1 $0x8440  }
0x9c: {  	[tilespmem:s10], [sflag:$0x13] =	stream.linear.gather @!p1 [spmem:s6], $0x3200, $0x38;
	[tilespmem:$0x1B040] =	vst v63  }
0x9d: {  	_ =	swait.ge @!p1 [sflag:s11], $0x3200  }
0x9e: {  	s17 =	sshra.s32 @!p1 s14, $0x2;
	[sflag:s11] =	ssyncset.done @!p1 $0x0  }
0x9f: {  	s18 =	simm.s32 @!p1 $0x64;
	[sflag:s11] =	ssyncadd.s32 @!p1 $0xFFFFCE00;
	s11 =	sadd.s32 @!p1 $0x340, s17  }
0xa0: {  	[tilespmem:s8], [sflag:$0x1] =	stream.indirect.gather.add.f32 @!p1 [hbm:s0], $0x80, s11, s18, $0xb8;
	[tilespmem:$0x1B040] =	vst v63  }
0xa1: {  	_ =	swait.ge [sflag:s12], $0x3200  }
0xa2: {  	[sflag:s12] =	ssyncset.done $0x0  }
0xa3: {  	s11 =	sadd.s32 $0x3E800, s16;
	s8 =	simm.s32 @!p1 $0xC;
	[sflag:s12] =	ssyncadd.s32 $0xFFFFCE00  }
0xa4: {  	[hbm4b:s11+s4] =	stream.linear.scatter [tilespmem:s29], [sflag:$0xE], $0x3200, $0x38;
	[tilespmem:$0x1B040] =	vst v63  }
0xa5: {  	_ =	swait.ge @!p1 [sflag:s8], $0x3200  }
0xa6: {  	[sflag:s8] =	ssyncset.done @!p1 $0x0  }
0xa7: {  	[sflag:s8] =	ssyncadd.s32 @!p1 $0xFFFFCE00;
	s8 =	simm.s32 @!p1 $0xB640  }
0xa8: {  	[tilespmem:s8], [sflag:$0x14] =	stream.linear.gather @!p1 [spmem:s6], $0x3200, $0x38;
	[tilespmem:$0x1B040] =	vst v63  }
0xa9: {  	s8 =	simm.s32 @!p1 $0x12  }
0xaa: {  	_ =	swait.ge @!p1 [sflag:s8], $0x3200  }
0xab: {  	[sflag:s8] =	ssyncset.done @!p1 $0x0  }
0xac: {  	[sflag:s8] =	ssyncadd.s32 @!p1 $0xFFFFCE00;
	s8 =	sadd.s32 @!p1 $0x3A8, s17  }
0xad: {  	[tilespmem:s9], [sflag:$0x2] =	stream.indirect.gather.add.f32 @!p1 [hbm:s0], $0x80, s8, s18, $0xb8;
	[tilespmem:$0x1B040] =	vst v63  }
0xae: {  	_ =	swait.ge [sflag:s13], $0x3200  }
0xaf: {  	[sflag:s13] =	ssyncset.done $0x0  }
0xb0: {  	s11 =	sadd.s32 $0x4B000, s16;
	s8 =	simm.s32 @!p1 $0xD;
	[sflag:s13] =	ssyncadd.s32 $0xFFFFCE00  }
0xb1: {  	[hbm4b:s11+s4] =	stream.linear.scatter [tilespmem:s30], [sflag:$0xF], $0x3200, $0x38;
	[tilespmem:$0x1B040] =	vst v63  }
0xb2: {  	_ =	swait.ge @!p1 [sflag:s8], $0x3200  }
0xb3: {  	[sflag:s8] =	ssyncset.done @!p1 $0x0  }
0xb4: {  	[sflag:s8] =	ssyncadd.s32 @!p1 $0xFFFFCE00;
	s8 =	simm.s32 @!p1 $0xE840  }
0xb5: {  	[tilespmem:s8], [sflag:$0x15] =	stream.linear.gather @!p1 [spmem:s6], $0x3200, $0x38;
	[tilespmem:$0x1B040] =	vst v63  }
0xb6: {  	s8 =	simm.s32 @!p1 $0x13  }
0xb7: {  	_ =	swait.ge @!p1 [sflag:s8], $0x3200  }
0xb8: {  	[sflag:s8] =	ssyncset.done @!p1 $0x0  }
0xb9: {  	[sflag:s8] =	ssyncadd.s32 @!p1 $0xFFFFCE00;
	s8 =	sadd.s32 @!p1 $0x410, s17  }
0xba: {  	[tilespmem:s10], [sflag:$0x3] =	stream.indirect.gather.add.f32 @!p1 [hbm:s0], $0x80, s8, s18, $0xb8;
	[tilespmem:$0x1B040] =	vst v63  }
.Ltmp2:
0xbb: {  	_ = 	snop;
	(pc) =	sbr.rel @p1 .LBB2_4-.Ltmp2, $4  }
0xbc: {  	_ =	swait.ge [sflag:s20], $0x3200  }
0xbd: {  	[sflag:s20] =	ssyncset.done $0x0  }
0xbe: {  	s26 =	simm.s32 $0xE840;
	s18 =	sadd.s32 $0x57800, s16;
	[sflag:s20] =	ssyncadd.s32 $0xFFFFCE00  }
0xbf: {  	[hbm4b:s18+s4] =	stream.linear.scatter [tilespmem:s1], [sflag:$0x10], $0x3200, $0x38;
	[tilespmem:$0x1B040] =	vst v63  }
0xc0: {  	_ =	swait.ge [sflag:s24], $0x3200  }
0xc1: {  	[sflag:s24] =	ssyncset.done $0x0  }
0xc2: {  	[sflag:s24] =	ssyncadd.s32 $0xFFFFCE00  }
0xc3: {  	[tilespmem:s29], [sflag:$0x16] =	stream.linear.gather [spmem:s6], $0x3200, $0x38;
	[tilespmem:$0x1B040] =	vst v63  }
.Ltmp3:
0xc4: {  	s8 =	simm.s32 $0x14;
	(pc) =	sbr.rel .LBB2_2-.Ltmp3, $4  }
0xc5: {  	s26 =	sadd.s32 $0x478, s15;
	_ =	swait.ge [sflag:s8], $0x3200  }
0xc6: {  	s14 =	sadd.s32 $0xD00, s14;
	s22 =	sadd.s32 $0x64000, s22;
	[sflag:s8] =	ssyncset.done $0x0  }
0xc7: {  	s11 =	simm.s32 $0xB640;
	s18 =	simm.s32 $0x11A40;
	[sflag:s8] =	ssyncadd.s32 $0xFFFFCE00  }
0xc8: {  	[tilespmem:s19], [sflag:$0x4] =	stream.indirect.gather.add.f32 [hbm:s0], $0x80, s26, s21, $0xb8;
	[tilespmem:$0x1B040] =	vst v63  }
.LBB2_5:
0xc9: {  	_ =	sfence.sel $0x180000  }
0xca: {  	[bflag:$0x0] =	sbarrier.arrive $0xFFFF  }
0xcb: {  	_ =	strace $0x90000047  }
0xcc: {  	[bflag:$0x2] =	sbarrier.arrive $0xFFFF  }
0xcd: {  	s0 =	rddreg [dreg:$0x5]  }
0xce: {  	s0 =	sadd.s32 @!p0 $0x100000, s0  }
0xcf: {  	[sflag:s0] =	ssyncadd.tile.s32 @!p0 $0x1;
	_ =	shalt  }
.Lfunc_end2:
_tile_overlayer_lowered:
.L_overlay_start_2:
0xd0: {  	(tag) =	ssettag $0x2  }
0xd1: {  	s0 =	rddreg [dreg:$0x0];
	s2 =	stileid.u32  }
0xd2: {  	s1 =	rddreg [dreg:$0x1];
	p0 =	sne.s32 s2, $0x0  }
0xd3: {  	s3 =	rddreg [dreg:$0x2];
	[bflag:$0x3] =	sbarrier.arrive $0xFFFF;
	s2 =	simm.s32 @!p0 $0x1C1A  }
0xd4: {  	[timem:s3], [sflag:s2] =	dma.local @!p0 [hbm:s0], s1  }
0xd5: {  	s0 =	simm.s32 @!p0 $0x1A  }
0xd6: {  	_ =	swait.ge @!p0 [sflag:s0], s1  }
0xd7: {  	s1 =	ssub.s32 @!p0 $0x0, s1;
	[sflag:s0] =	ssyncset.done @!p0 $0x0  }
0xd8: {  	[sflag:s0] =	ssyncadd.s32 @!p0 s1  }
0xd9: {  	[bflag:$0x3] =	sbarrier.arrive $0xFFFF  }
0xda: {  	_ =	shalt  }

</sc_bundles>
